<compile_context>
chip_gen: v7x
topology: tpu7x:2x2x1
jax: 0.10.2.dev20260603
libtpu: 0.0.44.dev20260713+nightly
codegen_flags: <defaults>
</compile_context>

<pallas_src>
import functools

import jax
import jax.numpy as jnp
from jax import lax
from jax.experimental import pallas as pl
from jax.experimental.pallas import tpu as pltpu
from jax.experimental.pallas import tpu_sc as plsc

B = 1024
L = 512
D = 128
NC = 2
NS = 16
NW = NC * NS
BPW = B // NW
ZR = 128


def _pos_body(table_hbm, len_hbm, out_hbm, lens_v, tbuf, zbuf, bbuf, sem, dsem):
    wid = lax.axis_index("s") * NC + lax.axis_index("c")
    pltpu.sync_copy(len_hbm.at[pl.ds(wid * BPW, BPW)], lens_v)
    tld = pltpu.async_copy(table_hbm, tbuf, dsem)

    zero = jnp.zeros((16,), jnp.float32)

    def zrow(r, carry):
        for j in range(D // 16):
            zbuf[r, pl.ds(j * 16, 16)] = zero
        return carry

    lax.fori_loop(0, ZR, zrow, 0)
    tld.wait()

    lane = lax.iota(jnp.int32, 16)
    lens_lo = lens_v[pl.ds(0, 16)]
    lens_hi = lens_v[pl.ds(16, 16)]
    obase = wid * (BPW * L)

    def batch_body(b_loc, carry):
        len_s = jnp.maximum(
            jnp.max(jnp.where(lane == b_loc, lens_lo, 0)),
            jnp.max(jnp.where(lane + 16 == b_loc, lens_hi, 0)))
        row0 = obase + b_loc * L
        q8 = len_s & ~7
        r8 = len_s & 7

        off = jnp.int32(0)
        for s in (256, 128, 64, 32, 16, 8):
            bit = q8 & s

            @pl.when(bit != 0)
            def _():
                pltpu.async_copy(
                    tbuf.at[pl.ds(pl.multiple_of(off, 8), s)],
                    out_hbm.at[pl.ds(pl.multiple_of(row0 + off, 8), s)], sem)

            off = off + bit

        bb = b_loc * 8
        for j in range(8):
            keep = j < r8
            for k in range(D // 16):
                tv = tbuf[q8 + j, pl.ds(k * 16, 16)]
                bbuf[bb + j, pl.ds(k * 16, 16)] = jnp.where(keep, tv, zero)
        pltpu.async_copy(
            bbuf.at[pl.ds(bb, 8)], out_hbm.at[pl.ds(pl.multiple_of(row0 + q8, 8), 8)], sem)
        off = off + 8

        t = L - q8 - 8
        for _i in range(3):
            c = t >= ZR

            @pl.when(c)
            def _():
                pltpu.async_copy(
                    zbuf, out_hbm.at[pl.ds(pl.multiple_of(row0 + off, 8), ZR)], sem)

            dec = jnp.where(c, ZR, 0).astype(jnp.int32)
            off = off + dec
            t = t - dec
        for s in (64, 32, 16, 8):
            bit = t & s

            @pl.when(bit != 0)
            def _():
                pltpu.async_copy(
                    zbuf.at[pl.ds(0, s)],
                    out_hbm.at[pl.ds(pl.multiple_of(row0 + off, 8), s)], sem)

            off = off + bit
        return carry

    lax.fori_loop(0, BPW, batch_body, 0)

    def drain(i, carry):
        pltpu.make_async_copy(table_hbm, tbuf, sem).wait()
        return carry

    lax.fori_loop(0, BPW, drain, 0)


@functools.partial(jax.jit)
def kernel(pos_enc, input_len):
    mesh = plsc.VectorSubcoreMesh(core_axis_name="c", subcore_axis_name="s")
    kfn = pl.kernel(
        _pos_body,
        out_type=jax.ShapeDtypeStruct((B * L, D), jnp.float32),
        mesh=mesh,
        scratch_types=[
            pltpu.VMEM((BPW,), jnp.int32),
            pltpu.VMEM((L, D), jnp.float32),
            pltpu.VMEM((ZR, D), jnp.float32),
            pltpu.VMEM((BPW * 8, D), jnp.float32),
            pltpu.SemaphoreType.DMA,
            pltpu.SemaphoreType.DMA,
        ],
        compiler_params=pltpu.CompilerParams(needs_layout_passes=False),
    )
    out = kfn(pos_enc[1:L + 1], input_len.astype(jnp.int32))
    return out.reshape(B, L, D)

# --- scband reference (transcript-rebuilt; emitter-appended) ---
"""Pipeline reference for scband-pos-encoding-23819888623659 (READ-ONLY COPY).

The authoritative reference and input builder live on the scoring server;
editing this copy changes nothing except your own understanding.
"""

import jax, jax.numpy as jnp
import numpy as np

MAX_SEQ_LEN = 5120
D = 128
MAX_LEN = MAX_SEQ_LEN // 10  # 512, matches self.max_len = int(max_seq_len / 10)
B = 1024


def _build_table():
    pos = np.arange(MAX_SEQ_LEN, dtype=np.float64)[:, None]
    j = np.arange(D)[None, :]
    angle = pos / np.power(10000.0, 2.0 * (j // 2) / D)
    table = np.zeros((MAX_SEQ_LEN, D), dtype=np.float64)
    table[:, 0::2] = np.sin(angle[:, 0::2])
    table[:, 1::2] = np.cos(angle[:, 1::2])
    pad_row = np.zeros((1, D), dtype=np.float64)
    table = np.concatenate([pad_row, table], axis=0).astype(np.float32)
    return jnp.asarray(table)  # shape [MAX_SEQ_LEN + 1, D]


def setup_inputs(seed: int = 0) -> dict:
    key = jax.random.key(seed)
    input_len = jax.random.randint(key, (B,), 0, 512)  # lengths in [0, max_len)
    return {"pos_enc": _build_table(), "input_len": input_len}


def reference(pos_enc, input_len):
    # torch: input_pos[b] = [1..len_b] + [0]*(max_len-len_b)
    pos = jnp.arange(1, MAX_LEN + 1, dtype=input_len.dtype)  # [MAX_LEN]
    input_pos = jnp.where(pos[None, :] <= input_len[:, None], pos[None, :], 0)  # [B, MAX_LEN]
    # embedding lookup -> gather rows of the positional table
    return jnp.take(pos_enc, input_pos, axis=0)  # [B, MAX_LEN, D]

if __name__ == "__main__":
    import jax
    _d = setup_inputs()
    print(jax.jit(kernel)(*tuple(_d.values())))

</pallas_src>

<mosaic_0001>
#map = affine_map<(d0, d1) -> (0, 0)>
#map1 = affine_map<(d0, d1) -> (0)>
module attributes {stable_mosaic.version = 14 : i64} {
  func.func @_pos_body(%arg0: i32, %arg1: i32, %arg2: memref<512x128xf32, #tpu.memory_space<hbm>>, %arg3: memref<1024xi32, #tpu.memory_space<hbm>>, %arg4: memref<524288x128xf32, #tpu.memory_space<hbm>>, %arg5: memref<32xi32, #tpu.memory_space<vmem>>, %arg6: memref<512x128xf32, #tpu.memory_space<vmem>>, %arg7: memref<128x128xf32, #tpu.memory_space<vmem>>, %arg8: memref<256x128xf32, #tpu.memory_space<vmem>>, %arg9: memref<!tpu.dma_semaphore, #tpu.memory_space<semaphore_mem>>, %arg10: memref<!tpu.dma_semaphore, #tpu.memory_space<semaphore_mem>>) attributes {dimension_semantics = [#tpu.dimension_semantics<core_parallel>, #tpu.dimension_semantics<subcore_parallel>], iteration_bounds = array<i64: 2, 16>, scalar_prefetch = 0 : i64, scratch_operands = 6 : i64, tpu.core_type = #tpu.core_type<sc_vector_subcore>, window_params = [{transform_indices = #map}, {transform_indices = #map1}, {transform_indices = #map}]} {
    %mul3A = arith.constant 2 : i32
    %mul3A_0 = arith.muli %arg1, %mul3A : i32
    %add3A = arith.addi %mul3A_0, %arg0 : i32
    %mul3A_1 = arith.constant 32 : i32
    %mul3A_2 = arith.muli %add3A, %mul3A_1 : i32
    "tpu.region"() ({
      %run_scoped3A = tpu.sem_alloc : memref<!tpu.dma_semaphore, #tpu.memory_space<semaphore_mem>>
      %dma_start3A = tpu.memref_slice %arg3[%mul3A_2] : memref<1024xi32, #tpu.memory_space<hbm>> -> memref<32xi32, #tpu.memory_space<hbm>>
      %dma_start3A_26 = tpu.memref_slice %arg3[%mul3A_2] : memref<1024xi32, #tpu.memory_space<hbm>> -> memref<32xi32, #tpu.memory_space<hbm>>
      tpu.enqueue_dma source(%dma_start3A_26 : memref<32xi32, #tpu.memory_space<hbm>>) target(%arg5 : memref<32xi32, #tpu.memory_space<vmem>>) target_semaphore(%run_scoped3A : memref<!tpu.dma_semaphore, #tpu.memory_space<semaphore_mem>>)
      %dma_wait3A = tpu.memref_slice %arg3[%mul3A_2] : memref<1024xi32, #tpu.memory_space<hbm>> -> memref<32xi32, #tpu.memory_space<hbm>>
      %dma_wait3A_27 = tpu.memref_slice %arg3[%mul3A_2] : memref<1024xi32, #tpu.memory_space<hbm>> -> memref<32xi32, #tpu.memory_space<hbm>>
      tpu.wait_dma2 semaphore(%run_scoped3A : memref<!tpu.dma_semaphore, #tpu.memory_space<semaphore_mem>>) src(%dma_wait3A_27 : memref<32xi32, #tpu.memory_space<hbm>>) dst(%arg5 : memref<32xi32, #tpu.memory_space<vmem>>)
      tpu.yield
    }) : () -> ()
    tpu.enqueue_dma source(%arg2 : memref<512x128xf32, #tpu.memory_space<hbm>>) target(%arg6 : memref<512x128xf32, #tpu.memory_space<vmem>>) target_semaphore(%arg10 : memref<!tpu.dma_semaphore, #tpu.memory_space<semaphore_mem>>)
    %broadcast_in_dim3A = arith.constant 0.000000e+00 : f32
    %broadcast_in_dim3A_3 = vector.broadcast %broadcast_in_dim3A : f32 to vector<16xf32>
    %scan3A = arith.constant 0 : i32
    %scan3A_4 = arith.constant 0 : i32
    %scan3A_5 = arith.constant 128 : i32
    %scan3A_6 = arith.addi %scan3A_4, %scan3A_5 : i32
    %scan3A_7 = arith.constant 1 : i32
    scf.for %scan3A_26 = %scan3A_4 to %scan3A_6 step %scan3A_7  : i32 {
      %swap3A = arith.index_cast %scan3A_26 : i32 to index
      %swap3A_27 = arith.constant 0 : index
      %swap3A_28 = tpu.vector_load %arg7[%swap3A, %swap3A_27] {strides = array<i32>} : memref<128x128xf32, #tpu.memory_space<vmem>>, vector<16xf32>,
      tpu.vector_store %arg7[%swap3A, %swap3A_27], %broadcast_in_dim3A_3 {strides = array<i32>} : memref<128x128xf32, #tpu.memory_space<vmem>>, vector<16xf32>,
      %swap3A_29 = arith.index_cast %scan3A_26 : i32 to index
      %swap3A_30 = arith.constant 16 : index
      %swap3A_31 = tpu.vector_load %arg7[%swap3A_29, %swap3A_30] {strides = array<i32>} : memref<128x128xf32, #tpu.memory_space<vmem>>, vector<16xf32>,
      tpu.vector_store %arg7[%swap3A_29, %swap3A_30], %broadcast_in_dim3A_3 {strides = array<i32>} : memref<128x128xf32, #tpu.memory_space<vmem>>, vector<16xf32>,
      %swap3A_32 = arith.index_cast %scan3A_26 : i32 to index
      %swap3A_33 = arith.constant 32 : index
      %swap3A_34 = tpu.vector_load %arg7[%swap3A_32, %swap3A_33] {strides = array<i32>} : memref<128x128xf32, #tpu.memory_space<vmem>>, vector<16xf32>,
      tpu.vector_store %arg7[%swap3A_32, %swap3A_33], %broadcast_in_dim3A_3 {strides = array<i32>} : memref<128x128xf32, #tpu.memory_space<vmem>>, vector<16xf32>,
      %swap3A_35 = arith.index_cast %scan3A_26 : i32 to index
      %swap3A_36 = arith.constant 48 : index
      %swap3A_37 = tpu.vector_load %arg7[%swap3A_35, %swap3A_36] {strides = array<i32>} : memref<128x128xf32, #tpu.memory_space<vmem>>, vector<16xf32>,
      tpu.vector_store %arg7[%swap3A_35, %swap3A_36], %broadcast_in_dim3A_3 {strides = array<i32>} : memref<128x128xf32, #tpu.memory_space<vmem>>, vector<16xf32>,
      %swap3A_38 = arith.index_cast %scan3A_26 : i32 to index
      %swap3A_39 = arith.constant 64 : index
      %swap3A_40 = tpu.vector_load %arg7[%swap3A_38, %swap3A_39] {strides = array<i32>} : memref<128x128xf32, #tpu.memory_space<vmem>>, vector<16xf32>,
      tpu.vector_store %arg7[%swap3A_38, %swap3A_39], %broadcast_in_dim3A_3 {strides = array<i32>} : memref<128x128xf32, #tpu.memory_space<vmem>>, vector<16xf32>,
      %swap3A_41 = arith.index_cast %scan3A_26 : i32 to index
      %swap3A_42 = arith.constant 80 : index
      %swap3A_43 = tpu.vector_load %arg7[%swap3A_41, %swap3A_42] {strides = array<i32>} : memref<128x128xf32, #tpu.memory_space<vmem>>, vector<16xf32>,
      tpu.vector_store %arg7[%swap3A_41, %swap3A_42], %broadcast_in_dim3A_3 {strides = array<i32>} : memref<128x128xf32, #tpu.memory_space<vmem>>, vector<16xf32>,
      %swap3A_44 = arith.index_cast %scan3A_26 : i32 to index
      %swap3A_45 = arith.constant 96 : index
      %swap3A_46 = tpu.vector_load %arg7[%swap3A_44, %swap3A_45] {strides = array<i32>} : memref<128x128xf32, #tpu.memory_space<vmem>>, vector<16xf32>,
      tpu.vector_store %arg7[%swap3A_44, %swap3A_45], %broadcast_in_dim3A_3 {strides = array<i32>} : memref<128x128xf32, #tpu.memory_space<vmem>>, vector<16xf32>,
      %swap3A_47 = arith.index_cast %scan3A_26 : i32 to index
      %swap3A_48 = arith.constant 112 : index
      %swap3A_49 = tpu.vector_load %arg7[%swap3A_47, %swap3A_48] {strides = array<i32>} : memref<128x128xf32, #tpu.memory_space<vmem>>, vector<16xf32>,
      tpu.vector_store %arg7[%swap3A_47, %swap3A_48], %broadcast_in_dim3A_3 {strides = array<i32>} : memref<128x128xf32, #tpu.memory_space<vmem>>, vector<16xf32>,
    }
    %scan3A_8 = arith.constant 128 : i32
    tpu.wait_dma2 semaphore(%arg10 : memref<!tpu.dma_semaphore, #tpu.memory_space<semaphore_mem>>) src(%arg2 : memref<512x128xf32, #tpu.memory_space<hbm>>) dst(%arg6 : memref<512x128xf32, #tpu.memory_space<vmem>>)
    %iota3A = tpu.iota {dimensions = array<i32: 0>} : vector<16xi32>
    %get3A = arith.constant 0 : index
    %get3A_9 = tpu.vector_load %arg5[%get3A] {strides = array<i32>} : memref<32xi32, #tpu.memory_space<vmem>>, vector<16xi32>,
    %get3A_10 = arith.constant 16 : index
    %get3A_11 = tpu.vector_load %arg5[%get3A_10] {strides = array<i32>} : memref<32xi32, #tpu.memory_space<vmem>>, vector<16xi32>,
    %mul3A_12 = arith.constant 16384 : i32
    %mul3A_13 = arith.muli %add3A, %mul3A_12 : i32
    %scan3A_14 = arith.constant 0 : i32
    %scan3A_15 = arith.constant 0 : i32
    %scan3A_16 = arith.constant 32 : i32
    %scan3A_17 = arith.addi %scan3A_15, %scan3A_16 : i32
    %scan3A_18 = arith.constant 1 : i32
    scf.for %scan3A_26 = %scan3A_15 to %scan3A_17 step %scan3A_18  : i32 {
      %eq3A = vector.broadcast %scan3A_26 : i32 to vector<16xi32>
      %eq3A_27 = arith.cmpi eq, %iota3A, %eq3A : vector<16xi32>
      %jit3A = arith.constant 0 : i32
      %broadcast_in_dim3A_28 = vector.broadcast %jit3A : i32 to vector<16xi32>
      %select_n3A = arith.select %eq3A_27, %get3A_9, %broadcast_in_dim3A_28 : vector<16xi1>, vector<16xi32>
      %reduce_max3A = arith.constant true
      %reduce_max3A_29 = vector.broadcast %reduce_max3A : i1 to vector<16xi1>
      %reduce_max3A_30 = arith.constant -2147483648 : i32
      %reduce_max3A_31 = vector.broadcast %reduce_max3A_30 : i32 to vector<16xi32>
      %reduce_max3A_32 = arith.xori %select_n3A, %reduce_max3A_31 : vector<16xi32>
      %reduce_max3A_33 = tpu.scan <max>, %reduce_max3A_32 masked %reduce_max3A_29 : vector<16xi32>, vector<16xi1> -> vector<16xi32>
      %reduce_max3A_34 = arith.xori %reduce_max3A_33, %reduce_max3A_31 : vector<16xi32>
      %reduce_max3A_35 = vector.extract %reduce_max3A_34[15] : i32 from vector<16xi32>
      %add3A_36 = arith.constant 16 : i32
      %add3A_37 = vector.broadcast %add3A_36 : i32 to vector<16xi32>
      %add3A_38 = arith.addi %iota3A, %add3A_37 : vector<16xi32>
      %eq3A_39 = vector.broadcast %scan3A_26 : i32 to vector<16xi32>
      %eq3A_40 = arith.cmpi eq, %add3A_38, %eq3A_39 : vector<16xi32>
      %jit3A_41 = arith.constant 0 : i32
      %broadcast_in_dim3A_42 = vector.broadcast %jit3A_41 : i32 to vector<16xi32>
      %select_n3A_43 = arith.select %eq3A_40, %get3A_11, %broadcast_in_dim3A_42 : vector<16xi1>, vector<16xi32>
      %reduce_max3A_44 = arith.constant true
      %reduce_max3A_45 = vector.broadcast %reduce_max3A_44 : i1 to vector<16xi1>
      %reduce_max3A_46 = arith.constant -2147483648 : i32
      %reduce_max3A_47 = vector.broadcast %reduce_max3A_46 : i32 to vector<16xi32>
      %reduce_max3A_48 = arith.xori %select_n3A_43, %reduce_max3A_47 : vector<16xi32>
      %reduce_max3A_49 = tpu.scan <max>, %reduce_max3A_48 masked %reduce_max3A_45 : vector<16xi32>, vector<16xi1> -> vector<16xi32>
      %reduce_max3A_50 = arith.xori %reduce_max3A_49, %reduce_max3A_47 : vector<16xi32>
      %reduce_max3A_51 = vector.extract %reduce_max3A_50[15] : i32 from vector<16xi32>
      %max3A = arith.maxsi %reduce_max3A_35, %reduce_max3A_51 : i32
      %mul3A_52 = arith.constant 512 : i32
      %mul3A_53 = arith.muli %scan3A_26, %mul3A_52 : i32
      %add3A_54 = arith.addi %mul3A_13, %mul3A_53 : i32
      %and3A = arith.constant -8 : i32
      %and3A_55 = arith.andi %max3A, %and3A : i32
      %and3A_56 = arith.constant 7 : i32
      %and3A_57 = arith.andi %max3A, %and3A_56 : i32
      %and3A_58 = arith.constant 256 : i32
      %and3A_59 = arith.andi %and3A_55, %and3A_58 : i32
      %ne3A = arith.constant 0 : i32
      %ne3A_60 = arith.cmpi ne, %and3A_59, %ne3A : i32
      %convert_element_type3A = arith.extui %ne3A_60 : i1 to i32
      %cond3A = arith.constant 0 : i32
      %cond3A_61 = arith.constant 0 : i32
      %cond3A_62 = arith.cmpi ne, %convert_element_type3A, %cond3A_61 : i32
      scf.if %cond3A_62 {
        %multiple_of3A_899 = tpu.assume_multiple %cond3A, 8 : i32
        %add3A_900 = arith.addi %add3A_54, %cond3A : i32
        %multiple_of3A_901 = tpu.assume_multiple %add3A_900, 8 : i32
        %dma_start3A_902 = arith.constant 0 : i32
        %dma_start3A_903 = tpu.memref_slice %arg6[%multiple_of3A_899, %dma_start3A_902] : memref<512x128xf32, #tpu.memory_space<vmem>> -> memref<256x128xf32, #tpu.memory_space<vmem>>
        %dma_start3A_904 = arith.constant 0 : i32
        %dma_start3A_905 = tpu.memref_slice %arg4[%multiple_of3A_901, %dma_start3A_904] : memref<524288x128xf32, #tpu.memory_space<hbm>> -> memref<256x128xf32, #tpu.memory_space<hbm>>
        %dma_start3A_906 = arith.constant 0 : i32
        %dma_start3A_907 = tpu.memref_slice %arg4[%multiple_of3A_901, %dma_start3A_906] : memref<524288x128xf32, #tpu.memory_space<hbm>> -> memref<256x128xf32, #tpu.memory_space<hbm>>
        %dma_start3A_908 = arith.constant 0 : i32
        %dma_start3A_909 = tpu.memref_slice %arg6[%multiple_of3A_899, %dma_start3A_908] : memref<512x128xf32, #tpu.memory_space<vmem>> -> memref<256x128xf32, #tpu.memory_space<vmem>>
        tpu.enqueue_dma source(%dma_start3A_909 : memref<256x128xf32, #tpu.memory_space<vmem>>) target(%dma_start3A_907 : memref<256x128xf32, #tpu.memory_space<hbm>>) target_semaphore(%arg9 : memref<!tpu.dma_semaphore, #tpu.memory_space<semaphore_mem>>)
      } else {
      }
      %add3A_63 = arith.constant 0 : i32
      %add3A_64 = arith.addi %add3A_63, %and3A_59 : i32
      %and3A_65 = arith.constant 128 : i32
      %and3A_66 = arith.andi %and3A_55, %and3A_65 : i32
      %ne3A_67 = arith.constant 0 : i32
      %ne3A_68 = arith.cmpi ne, %and3A_66, %ne3A_67 : i32
      %convert_element_type3A_69 = arith.extui %ne3A_68 : i1 to i32
      %cond3A_70 = arith.constant 0 : i32
      %cond3A_71 = arith.cmpi ne, %convert_element_type3A_69, %cond3A_70 : i32
      scf.if %cond3A_71 {
        %multiple_of3A_899 = tpu.assume_multiple %add3A_64, 8 : i32
        %add3A_900 = arith.addi %add3A_54, %add3A_64 : i32
        %multiple_of3A_901 = tpu.assume_multiple %add3A_900, 8 : i32
        %dma_start3A_902 = arith.constant 0 : i32
        %dma_start3A_903 = tpu.memref_slice %arg6[%multiple_of3A_899, %dma_start3A_902] : memref<512x128xf32, #tpu.memory_space<vmem>> -> memref<128x128xf32, #tpu.memory_space<vmem>>
        %dma_start3A_904 = arith.constant 0 : i32
        %dma_start3A_905 = tpu.memref_slice %arg4[%multiple_of3A_901, %dma_start3A_904] : memref<524288x128xf32, #tpu.memory_space<hbm>> -> memref<128x128xf32, #tpu.memory_space<hbm>>
        %dma_start3A_906 = arith.constant 0 : i32
        %dma_start3A_907 = tpu.memref_slice %arg4[%multiple_of3A_901, %dma_start3A_906] : memref<524288x128xf32, #tpu.memory_space<hbm>> -> memref<128x128xf32, #tpu.memory_space<hbm>>
        %dma_start3A_908 = arith.constant 0 : i32
        %dma_start3A_909 = tpu.memref_slice %arg6[%multiple_of3A_899, %dma_start3A_908] : memref<512x128xf32, #tpu.memory_space<vmem>> -> memref<128x128xf32, #tpu.memory_space<vmem>>
        tpu.enqueue_dma source(%dma_start3A_909 : memref<128x128xf32, #tpu.memory_space<vmem>>) target(%dma_start3A_907 : memref<128x128xf32, #tpu.memory_space<hbm>>) target_semaphore(%arg9 : memref<!tpu.dma_semaphore, #tpu.memory_space<semaphore_mem>>)
      } else {
      }
      %add3A_72 = arith.addi %add3A_64, %and3A_66 : i32
      %and3A_73 = arith.constant 64 : i32
      %and3A_74 = arith.andi %and3A_55, %and3A_73 : i32
      %ne3A_75 = arith.constant 0 : i32
      %ne3A_76 = arith.cmpi ne, %and3A_74, %ne3A_75 : i32
      %convert_element_type3A_77 = arith.extui %ne3A_76 : i1 to i32
      %cond3A_78 = arith.constant 0 : i32
      %cond3A_79 = arith.cmpi ne, %convert_element_type3A_77, %cond3A_78 : i32
      scf.if %cond3A_79 {
        %multiple_of3A_899 = tpu.assume_multiple %add3A_72, 8 : i32
        %add3A_900 = arith.addi %add3A_54, %add3A_72 : i32
        %multiple_of3A_901 = tpu.assume_multiple %add3A_900, 8 : i32
        %dma_start3A_902 = arith.constant 0 : i32
        %dma_start3A_903 = tpu.memref_slice %arg6[%multiple_of3A_899, %dma_start3A_902] : memref<512x128xf32, #tpu.memory_space<vmem>> -> memref<64x128xf32, #tpu.memory_space<vmem>>
        %dma_start3A_904 = arith.constant 0 : i32
        %dma_start3A_905 = tpu.memref_slice %arg4[%multiple_of3A_901, %dma_start3A_904] : memref<524288x128xf32, #tpu.memory_space<hbm>> -> memref<64x128xf32, #tpu.memory_space<hbm>>
        %dma_start3A_906 = arith.constant 0 : i32
        %dma_start3A_907 = tpu.memref_slice %arg4[%multiple_of3A_901, %dma_start3A_906] : memref<524288x128xf32, #tpu.memory_space<hbm>> -> memref<64x128xf32, #tpu.memory_space<hbm>>
        %dma_start3A_908 = arith.constant 0 : i32
        %dma_start3A_909 = tpu.memref_slice %arg6[%multiple_of3A_899, %dma_start3A_908] : memref<512x128xf32, #tpu.memory_space<vmem>> -> memref<64x128xf32, #tpu.memory_space<vmem>>
        tpu.enqueue_dma source(%dma_start3A_909 : memref<64x128xf32, #tpu.memory_space<vmem>>) target(%dma_start3A_907 : memref<64x128xf32, #tpu.memory_space<hbm>>) target_semaphore(%arg9 : memref<!tpu.dma_semaphore, #tpu.memory_space<semaphore_mem>>)
      } else {
      }
      %add3A_80 = arith.addi %add3A_72, %and3A_74 : i32
      %and3A_81 = arith.constant 32 : i32
      %and3A_82 = arith.andi %and3A_55, %and3A_81 : i32
      %ne3A_83 = arith.constant 0 : i32
      %ne3A_84 = arith.cmpi ne, %and3A_82, %ne3A_83 : i32
      %convert_element_type3A_85 = arith.extui %ne3A_84 : i1 to i32
      %cond3A_86 = arith.constant 0 : i32
      %cond3A_87 = arith.cmpi ne, %convert_element_type3A_85, %cond3A_86 : i32
      scf.if %cond3A_87 {
        %multiple_of3A_899 = tpu.assume_multiple %add3A_80, 8 : i32
        %add3A_900 = arith.addi %add3A_54, %add3A_80 : i32
        %multiple_of3A_901 = tpu.assume_multiple %add3A_900, 8 : i32
        %dma_start3A_902 = arith.constant 0 : i32
        %dma_start3A_903 = tpu.memref_slice %arg6[%multiple_of3A_899, %dma_start3A_902] : memref<512x128xf32, #tpu.memory_space<vmem>> -> memref<32x128xf32, #tpu.memory_space<vmem>>
        %dma_start3A_904 = arith.constant 0 : i32
        %dma_start3A_905 = tpu.memref_slice %arg4[%multiple_of3A_901, %dma_start3A_904] : memref<524288x128xf32, #tpu.memory_space<hbm>> -> memref<32x128xf32, #tpu.memory_space<hbm>>
        %dma_start3A_906 = arith.constant 0 : i32
        %dma_start3A_907 = tpu.memref_slice %arg4[%multiple_of3A_901, %dma_start3A_906] : memref<524288x128xf32, #tpu.memory_space<hbm>> -> memref<32x128xf32, #tpu.memory_space<hbm>>
        %dma_start3A_908 = arith.constant 0 : i32
        %dma_start3A_909 = tpu.memref_slice %arg6[%multiple_of3A_899, %dma_start3A_908] : memref<512x128xf32, #tpu.memory_space<vmem>> -> memref<32x128xf32, #tpu.memory_space<vmem>>
        tpu.enqueue_dma source(%dma_start3A_909 : memref<32x128xf32, #tpu.memory_space<vmem>>) target(%dma_start3A_907 : memref<32x128xf32, #tpu.memory_space<hbm>>) target_semaphore(%arg9 : memref<!tpu.dma_semaphore, #tpu.memory_space<semaphore_mem>>)
      } else {
      }
      %add3A_88 = arith.addi %add3A_80, %and3A_82 : i32
      %and3A_89 = arith.constant 16 : i32
      %and3A_90 = arith.andi %and3A_55, %and3A_89 : i32
      %ne3A_91 = arith.constant 0 : i32
      %ne3A_92 = arith.cmpi ne, %and3A_90, %ne3A_91 : i32
      %convert_element_type3A_93 = arith.extui %ne3A_92 : i1 to i32
      %cond3A_94 = arith.constant 0 : i32
      %cond3A_95 = arith.cmpi ne, %convert_element_type3A_93, %cond3A_94 : i32
      scf.if %cond3A_95 {
        %multiple_of3A_899 = tpu.assume_multiple %add3A_88, 8 : i32
        %add3A_900 = arith.addi %add3A_54, %add3A_88 : i32
        %multiple_of3A_901 = tpu.assume_multiple %add3A_900, 8 : i32
        %dma_start3A_902 = arith.constant 0 : i32
        %dma_start3A_903 = tpu.memref_slice %arg6[%multiple_of3A_899, %dma_start3A_902] : memref<512x128xf32, #tpu.memory_space<vmem>> -> memref<16x128xf32, #tpu.memory_space<vmem>>
        %dma_start3A_904 = arith.constant 0 : i32
        %dma_start3A_905 = tpu.memref_slice %arg4[%multiple_of3A_901, %dma_start3A_904] : memref<524288x128xf32, #tpu.memory_space<hbm>> -> memref<16x128xf32, #tpu.memory_space<hbm>>
        %dma_start3A_906 = arith.constant 0 : i32
        %dma_start3A_907 = tpu.memref_slice %arg4[%multiple_of3A_901, %dma_start3A_906] : memref<524288x128xf32, #tpu.memory_space<hbm>> -> memref<16x128xf32, #tpu.memory_space<hbm>>
        %dma_start3A_908 = arith.constant 0 : i32
        %dma_start3A_909 = tpu.memref_slice %arg6[%multiple_of3A_899, %dma_start3A_908] : memref<512x128xf32, #tpu.memory_space<vmem>> -> memref<16x128xf32, #tpu.memory_space<vmem>>
        tpu.enqueue_dma source(%dma_start3A_909 : memref<16x128xf32, #tpu.memory_space<vmem>>) target(%dma_start3A_907 : memref<16x128xf32, #tpu.memory_space<hbm>>) target_semaphore(%arg9 : memref<!tpu.dma_semaphore, #tpu.memory_space<semaphore_mem>>)
      } else {
      }
      %add3A_96 = arith.addi %add3A_88, %and3A_90 : i32
      %and3A_97 = arith.constant 8 : i32
      %and3A_98 = arith.andi %and3A_55, %and3A_97 : i32
      %ne3A_99 = arith.constant 0 : i32
      %ne3A_100 = arith.cmpi ne, %and3A_98, %ne3A_99 : i32
      %convert_element_type3A_101 = arith.extui %ne3A_100 : i1 to i32
      %cond3A_102 = arith.constant 0 : i32
      %cond3A_103 = arith.cmpi ne, %convert_element_type3A_101, %cond3A_102 : i32
      scf.if %cond3A_103 {
        %multiple_of3A_899 = tpu.assume_multiple %add3A_96, 8 : i32
        %add3A_900 = arith.addi %add3A_54, %add3A_96 : i32
        %multiple_of3A_901 = tpu.assume_multiple %add3A_900, 8 : i32
        %dma_start3A_902 = arith.constant 0 : i32
        %dma_start3A_903 = tpu.memref_slice %arg6[%multiple_of3A_899, %dma_start3A_902] : memref<512x128xf32, #tpu.memory_space<vmem>> -> memref<8x128xf32, #tpu.memory_space<vmem>>
        %dma_start3A_904 = arith.constant 0 : i32
        %dma_start3A_905 = tpu.memref_slice %arg4[%multiple_of3A_901, %dma_start3A_904] : memref<524288x128xf32, #tpu.memory_space<hbm>> -> memref<8x128xf32, #tpu.memory_space<hbm>>
        %dma_start3A_906 = arith.constant 0 : i32
        %dma_start3A_907 = tpu.memref_slice %arg4[%multiple_of3A_901, %dma_start3A_906] : memref<524288x128xf32, #tpu.memory_space<hbm>> -> memref<8x128xf32, #tpu.memory_space<hbm>>
        %dma_start3A_908 = arith.constant 0 : i32
        %dma_start3A_909 = tpu.memref_slice %arg6[%multiple_of3A_899, %dma_start3A_908] : memref<512x128xf32, #tpu.memory_space<vmem>> -> memref<8x128xf32, #tpu.memory_space<vmem>>
        tpu.enqueue_dma source(%dma_start3A_909 : memref<8x128xf32, #tpu.memory_space<vmem>>) target(%dma_start3A_907 : memref<8x128xf32, #tpu.memory_space<hbm>>) target_semaphore(%arg9 : memref<!tpu.dma_semaphore, #tpu.memory_space<semaphore_mem>>)
      } else {
      }
      %add3A_104 = arith.addi %add3A_96, %and3A_98 : i32
      %mul3A_105 = arith.constant 8 : i32
      %mul3A_106 = arith.muli %scan3A_26, %mul3A_105 : i32
      %gt3A = arith.constant 0 : i32
      %gt3A_107 = arith.cmpi sgt, %and3A_57, %gt3A : i32
      %add3A_108 = arith.constant 0 : i32
      %add3A_109 = arith.addi %and3A_55, %add3A_108 : i32
      %get3A_110 = arith.index_cast %add3A_109 : i32 to index
      %get3A_111 = arith.constant 0 : index
      %get3A_112 = tpu.vector_load %arg6[%get3A_110, %get3A_111] {strides = array<i32>} : memref<512x128xf32, #tpu.memory_space<vmem>>, vector<16xf32>,
      %select_n3A_113 = arith.select %gt3A_107, %get3A_112, %broadcast_in_dim3A_3 : vector<16xf32>
      %add3A_114 = arith.constant 0 : i32
      %add3A_115 = arith.addi %mul3A_106, %add3A_114 : i32
      %swap3A = arith.index_cast %add3A_115 : i32 to index
      %swap3A_116 = arith.constant 0 : index
      %swap3A_117 = tpu.vector_load %arg8[%swap3A, %swap3A_116] {strides = array<i32>} : memref<256x128xf32, #tpu.memory_space<vmem>>, vector<16xf32>,
      tpu.vector_store %arg8[%swap3A, %swap3A_116], %select_n3A_113 {strides = array<i32>} : memref<256x128xf32, #tpu.memory_space<vmem>>, vector<16xf32>,
      %add3A_118 = arith.constant 0 : i32
      %add3A_119 = arith.addi %and3A_55, %add3A_118 : i32
      %get3A_120 = arith.index_cast %add3A_119 : i32 to index
      %get3A_121 = arith.constant 16 : index
      %get3A_122 = tpu.vector_load %arg6[%get3A_120, %get3A_121] {strides = array<i32>} : memref<512x128xf32, #tpu.memory_space<vmem>>, vector<16xf32>,
      %select_n3A_123 = arith.select %gt3A_107, %get3A_122, %broadcast_in_dim3A_3 : vector<16xf32>
      %add3A_124 = arith.constant 0 : i32
      %add3A_125 = arith.addi %mul3A_106, %add3A_124 : i32
      %swap3A_126 = arith.index_cast %add3A_125 : i32 to index
      %swap3A_127 = arith.constant 16 : index
      %swap3A_128 = tpu.vector_load %arg8[%swap3A_126, %swap3A_127] {strides = array<i32>} : memref<256x128xf32, #tpu.memory_space<vmem>>, vector<16xf32>,
      tpu.vector_store %arg8[%swap3A_126, %swap3A_127], %select_n3A_123 {strides = array<i32>} : memref<256x128xf32, #tpu.memory_space<vmem>>, vector<16xf32>,
      %add3A_129 = arith.constant 0 : i32
      %add3A_130 = arith.addi %and3A_55, %add3A_129 : i32
      %get3A_131 = arith.index_cast %add3A_130 : i32 to index
      %get3A_132 = arith.constant 32 : index
      %get3A_133 = tpu.vector_load %arg6[%get3A_131, %get3A_132] {strides = array<i32>} : memref<512x128xf32, #tpu.memory_space<vmem>>, vector<16xf32>,
      %select_n3A_134 = arith.select %gt3A_107, %get3A_133, %broadcast_in_dim3A_3 : vector<16xf32>
      %add3A_135 = arith.constant 0 : i32
      %add3A_136 = arith.addi %mul3A_106, %add3A_135 : i32
      %swap3A_137 = arith.index_cast %add3A_136 : i32 to index
      %swap3A_138 = arith.constant 32 : index
      %swap3A_139 = tpu.vector_load %arg8[%swap3A_137, %swap3A_138] {strides = array<i32>} : memref<256x128xf32, #tpu.memory_space<vmem>>, vector<16xf32>,
      tpu.vector_store %arg8[%swap3A_137, %swap3A_138], %select_n3A_134 {strides = array<i32>} : memref<256x128xf32, #tpu.memory_space<vmem>>, vector<16xf32>,
      %add3A_140 = arith.constant 0 : i32
      %add3A_141 = arith.addi %and3A_55, %add3A_140 : i32
      %get3A_142 = arith.index_cast %add3A_141 : i32 to index
      %get3A_143 = arith.constant 48 : index
      %get3A_144 = tpu.vector_load %arg6[%get3A_142, %get3A_143] {strides = array<i32>} : memref<512x128xf32, #tpu.memory_space<vmem>>, vector<16xf32>,
      %select_n3A_145 = arith.select %gt3A_107, %get3A_144, %broadcast_in_dim3A_3 : vector<16xf32>
      %add3A_146 = arith.constant 0 : i32
      %add3A_147 = arith.addi %mul3A_106, %add3A_146 : i32
      %swap3A_148 = arith.index_cast %add3A_147 : i32 to index
      %swap3A_149 = arith.constant 48 : index
      %swap3A_150 = tpu.vector_load %arg8[%swap3A_148, %swap3A_149] {strides = array<i32>} : memref<256x128xf32, #tpu.memory_space<vmem>>, vector<16xf32>,
      tpu.vector_store %arg8[%swap3A_148, %swap3A_149], %select_n3A_145 {strides = array<i32>} : memref<256x128xf32, #tpu.memory_space<vmem>>, vector<16xf32>,
      %add3A_151 = arith.constant 0 : i32
      %add3A_152 = arith.addi %and3A_55, %add3A_151 : i32
      %get3A_153 = arith.index_cast %add3A_152 : i32 to index
      %get3A_154 = arith.constant 64 : index
      %get3A_155 = tpu.vector_load %arg6[%get3A_153, %get3A_154] {strides = array<i32>} : memref<512x128xf32, #tpu.memory_space<vmem>>, vector<16xf32>,
      %select_n3A_156 = arith.select %gt3A_107, %get3A_155, %broadcast_in_dim3A_3 : vector<16xf32>
      %add3A_157 = arith.constant 0 : i32
      %add3A_158 = arith.addi %mul3A_106, %add3A_157 : i32
      %swap3A_159 = arith.index_cast %add3A_158 : i32 to index
      %swap3A_160 = arith.constant 64 : index
      %swap3A_161 = tpu.vector_load %arg8[%swap3A_159, %swap3A_160] {strides = array<i32>} : memref<256x128xf32, #tpu.memory_space<vmem>>, vector<16xf32>,
      tpu.vector_store %arg8[%swap3A_159, %swap3A_160], %select_n3A_156 {strides = array<i32>} : memref<256x128xf32, #tpu.memory_space<vmem>>, vector<16xf32>,
      %add3A_162 = arith.constant 0 : i32
      %add3A_163 = arith.addi %and3A_55, %add3A_162 : i32
      %get3A_164 = arith.index_cast %add3A_163 : i32 to index
      %get3A_165 = arith.constant 80 : index
      %get3A_166 = tpu.vector_load %arg6[%get3A_164, %get3A_165] {strides = array<i32>} : memref<512x128xf32, #tpu.memory_space<vmem>>, vector<16xf32>,
      %select_n3A_167 = arith.select %gt3A_107, %get3A_166, %broadcast_in_dim3A_3 : vector<16xf32>
      %add3A_168 = arith.constant 0 : i32
      %add3A_169 = arith.addi %mul3A_106, %add3A_168 : i32
      %swap3A_170 = arith.index_cast %add3A_169 : i32 to index
      %swap3A_171 = arith.constant 80 : index
      %swap3A_172 = tpu.vector_load %arg8[%swap3A_170, %swap3A_171] {strides = array<i32>} : memref<256x128xf32, #tpu.memory_space<vmem>>, vector<16xf32>,
      tpu.vector_store %arg8[%swap3A_170, %swap3A_171], %select_n3A_167 {strides = array<i32>} : memref<256x128xf32, #tpu.memory_space<vmem>>, vector<16xf32>,
      %add3A_173 = arith.constant 0 : i32
      %add3A_174 = arith.addi %and3A_55, %add3A_173 : i32
      %get3A_175 = arith.index_cast %add3A_174 : i32 to index
      %get3A_176 = arith.constant 96 : index
      %get3A_177 = tpu.vector_load %arg6[%get3A_175, %get3A_176] {strides = array<i32>} : memref<512x128xf32, #tpu.memory_space<vmem>>, vector<16xf32>,
      %select_n3A_178 = arith.select %gt3A_107, %get3A_177, %broadcast_in_dim3A_3 : vector<16xf32>
      %add3A_179 = arith.constant 0 : i32
      %add3A_180 = arith.addi %mul3A_106, %add3A_179 : i32
      %swap3A_181 = arith.index_cast %add3A_180 : i32 to index
      %swap3A_182 = arith.constant 96 : index
      %swap3A_183 = tpu.vector_load %arg8[%swap3A_181, %swap3A_182] {strides = array<i32>} : memref<256x128xf32, #tpu.memory_space<vmem>>, vector<16xf32>,
      tpu.vector_store %arg8[%swap3A_181, %swap3A_182], %select_n3A_178 {strides = array<i32>} : memref<256x128xf32, #tpu.memory_space<vmem>>, vector<16xf32>,
      %add3A_184 = arith.constant 0 : i32
      %add3A_185 = arith.addi %and3A_55, %add3A_184 : i32
      %get3A_186 = arith.index_cast %add3A_185 : i32 to index
      %get3A_187 = arith.constant 112 : index
      %get3A_188 = tpu.vector_load %arg6[%get3A_186, %get3A_187] {strides = array<i32>} : memref<512x128xf32, #tpu.memory_space<vmem>>, vector<16xf32>,
      %select_n3A_189 = arith.select %gt3A_107, %get3A_188, %broadcast_in_dim3A_3 : vector<16xf32>
      %add3A_190 = arith.constant 0 : i32
      %add3A_191 = arith.addi %mul3A_106, %add3A_190 : i32
      %swap3A_192 = arith.index_cast %add3A_191 : i32 to index
      %swap3A_193 = arith.constant 112 : index
      %swap3A_194 = tpu.vector_load %arg8[%swap3A_192, %swap3A_193] {strides = array<i32>} : memref<256x128xf32, #tpu.memory_space<vmem>>, vector<16xf32>,
      tpu.vector_store %arg8[%swap3A_192, %swap3A_193], %select_n3A_189 {strides = array<i32>} : memref<256x128xf32, #tpu.memory_space<vmem>>, vector<16xf32>,
      %gt3A_195 = arith.constant 1 : i32
      %gt3A_196 = arith.cmpi sgt, %and3A_57, %gt3A_195 : i32
      %add3A_197 = arith.constant 1 : i32
      %add3A_198 = arith.addi %and3A_55, %add3A_197 : i32
      %get3A_199 = arith.index_cast %add3A_198 : i32 to index
      %get3A_200 = arith.constant 0 : index
      %get3A_201 = tpu.vector_load %arg6[%get3A_199, %get3A_200] {strides = array<i32>} : memref<512x128xf32, #tpu.memory_space<vmem>>, vector<16xf32>,
      %select_n3A_202 = arith.select %gt3A_196, %get3A_201, %broadcast_in_dim3A_3 : vector<16xf32>
      %add3A_203 = arith.constant 1 : i32
      %add3A_204 = arith.addi %mul3A_106, %add3A_203 : i32
      %swap3A_205 = arith.index_cast %add3A_204 : i32 to index
      %swap3A_206 = arith.constant 0 : index
      %swap3A_207 = tpu.vector_load %arg8[%swap3A_205, %swap3A_206] {strides = array<i32>} : memref<256x128xf32, #tpu.memory_space<vmem>>, vector<16xf32>,
      tpu.vector_store %arg8[%swap3A_205, %swap3A_206], %select_n3A_202 {strides = array<i32>} : memref<256x128xf32, #tpu.memory_space<vmem>>, vector<16xf32>,
      %add3A_208 = arith.constant 1 : i32
      %add3A_209 = arith.addi %and3A_55, %add3A_208 : i32
      %get3A_210 = arith.index_cast %add3A_209 : i32 to index
      %get3A_211 = arith.constant 16 : index
      %get3A_212 = tpu.vector_load %arg6[%get3A_210, %get3A_211] {strides = array<i32>} : memref<512x128xf32, #tpu.memory_space<vmem>>, vector<16xf32>,
      %select_n3A_213 = arith.select %gt3A_196, %get3A_212, %broadcast_in_dim3A_3 : vector<16xf32>
      %add3A_214 = arith.constant 1 : i32
      %add3A_215 = arith.addi %mul3A_106, %add3A_214 : i32
      %swap3A_216 = arith.index_cast %add3A_215 : i32 to index
      %swap3A_217 = arith.constant 16 : index
      %swap3A_218 = tpu.vector_load %arg8[%swap3A_216, %swap3A_217] {strides = array<i32>} : memref<256x128xf32, #tpu.memory_space<vmem>>, vector<16xf32>,
      tpu.vector_store %arg8[%swap3A_216, %swap3A_217], %select_n3A_213 {strides = array<i32>} : memref<256x128xf32, #tpu.memory_space<vmem>>, vector<16xf32>,
      %add3A_219 = arith.constant 1 : i32
      %add3A_220 = arith.addi %and3A_55, %add3A_219 : i32
      %get3A_221 = arith.index_cast %add3A_220 : i32 to index
      %get3A_222 = arith.constant 32 : index
      %get3A_223 = tpu.vector_load %arg6[%get3A_221, %get3A_222] {strides = array<i32>} : memref<512x128xf32, #tpu.memory_space<vmem>>, vector<16xf32>,
      %select_n3A_224 = arith.select %gt3A_196, %get3A_223, %broadcast_in_dim3A_3 : vector<16xf32>
      %add3A_225 = arith.constant 1 : i32
      %add3A_226 = arith.addi %mul3A_106, %add3A_225 : i32
      %swap3A_227 = arith.index_cast %add3A_226 : i32 to index
      %swap3A_228 = arith.constant 32 : index
      %swap3A_229 = tpu.vector_load %arg8[%swap3A_227, %swap3A_228] {strides = array<i32>} : memref<256x128xf32, #tpu.memory_space<vmem>>, vector<16xf32>,
      tpu.vector_store %arg8[%swap3A_227, %swap3A_228], %select_n3A_224 {strides = array<i32>} : memref<256x128xf32, #tpu.memory_space<vmem>>, vector<16xf32>,
      %add3A_230 = arith.constant 1 : i32
      %add3A_231 = arith.addi %and3A_55, %add3A_230 : i32
      %get3A_232 = arith.index_cast %add3A_231 : i32 to index
      %get3A_233 = arith.constant 48 : index
      %get3A_234 = tpu.vector_load %arg6[%get3A_232, %get3A_233] {strides = array<i32>} : memref<512x128xf32, #tpu.memory_space<vmem>>, vector<16xf32>,
      %select_n3A_235 = arith.select %gt3A_196, %get3A_234, %broadcast_in_dim3A_3 : vector<16xf32>
      %add3A_236 = arith.constant 1 : i32
      %add3A_237 = arith.addi %mul3A_106, %add3A_236 : i32
      %swap3A_238 = arith.index_cast %add3A_237 : i32 to index
      %swap3A_239 = arith.constant 48 : index
      %swap3A_240 = tpu.vector_load %arg8[%swap3A_238, %swap3A_239] {strides = array<i32>} : memref<256x128xf32, #tpu.memory_space<vmem>>, vector<16xf32>,
      tpu.vector_store %arg8[%swap3A_238, %swap3A_239], %select_n3A_235 {strides = array<i32>} : memref<256x128xf32, #tpu.memory_space<vmem>>, vector<16xf32>,
      %add3A_241 = arith.constant 1 : i32
      %add3A_242 = arith.addi %and3A_55, %add3A_241 : i32
      %get3A_243 = arith.index_cast %add3A_242 : i32 to index
      %get3A_244 = arith.constant 64 : index
      %get3A_245 = tpu.vector_load %arg6[%get3A_243, %get3A_244] {strides = array<i32>} : memref<512x128xf32, #tpu.memory_space<vmem>>, vector<16xf32>,
      %select_n3A_246 = arith.select %gt3A_196, %get3A_245, %broadcast_in_dim3A_3 : vector<16xf32>
      %add3A_247 = arith.constant 1 : i32
      %add3A_248 = arith.addi %mul3A_106, %add3A_247 : i32
      %swap3A_249 = arith.index_cast %add3A_248 : i32 to index
      %swap3A_250 = arith.constant 64 : index
      %swap3A_251 = tpu.vector_load %arg8[%swap3A_249, %swap3A_250] {strides = array<i32>} : memref<256x128xf32, #tpu.memory_space<vmem>>, vector<16xf32>,
      tpu.vector_store %arg8[%swap3A_249, %swap3A_250], %select_n3A_246 {strides = array<i32>} : memref<256x128xf32, #tpu.memory_space<vmem>>, vector<16xf32>,
      %add3A_252 = arith.constant 1 : i32
      %add3A_253 = arith.addi %and3A_55, %add3A_252 : i32
      %get3A_254 = arith.index_cast %add3A_253 : i32 to index
      %get3A_255 = arith.constant 80 : index
      %get3A_256 = tpu.vector_load %arg6[%get3A_254, %get3A_255] {strides = array<i32>} : memref<512x128xf32, #tpu.memory_space<vmem>>, vector<16xf32>,
      %select_n3A_257 = arith.select %gt3A_196, %get3A_256, %broadcast_in_dim3A_3 : vector<16xf32>
      %add3A_258 = arith.constant 1 : i32
      %add3A_259 = arith.addi %mul3A_106, %add3A_258 : i32
      %swap3A_260 = arith.index_cast %add3A_259 : i32 to index
      %swap3A_261 = arith.constant 80 : index
      %swap3A_262 = tpu.vector_load %arg8[%swap3A_260, %swap3A_261] {strides = array<i32>} : memref<256x128xf32, #tpu.memory_space<vmem>>, vector<16xf32>,
      tpu.vector_store %arg8[%swap3A_260, %swap3A_261], %select_n3A_257 {strides = array<i32>} : memref<256x128xf32, #tpu.memory_space<vmem>>, vector<16xf32>,
      %add3A_263 = arith.constant 1 : i32
      %add3A_264 = arith.addi %and3A_55, %add3A_263 : i32
      %get3A_265 = arith.index_cast %add3A_264 : i32 to index
      %get3A_266 = arith.constant 96 : index
      %get3A_267 = tpu.vector_load %arg6[%get3A_265, %get3A_266] {strides = array<i32>} : memref<512x128xf32, #tpu.memory_space<vmem>>, vector<16xf32>,
      %select_n3A_268 = arith.select %gt3A_196, %get3A_267, %broadcast_in_dim3A_3 : vector<16xf32>
      %add3A_269 = arith.constant 1 : i32
      %add3A_270 = arith.addi %mul3A_106, %add3A_269 : i32
      %swap3A_271 = arith.index_cast %add3A_270 : i32 to index
      %swap3A_272 = arith.constant 96 : index
      %swap3A_273 = tpu.vector_load %arg8[%swap3A_271, %swap3A_272] {strides = array<i32>} : memref<256x128xf32, #tpu.memory_space<vmem>>, vector<16xf32>,
      tpu.vector_store %arg8[%swap3A_271, %swap3A_272], %select_n3A_268 {strides = array<i32>} : memref<256x128xf32, #tpu.memory_space<vmem>>, vector<16xf32>,
      %add3A_274 = arith.constant 1 : i32
      %add3A_275 = arith.addi %and3A_55, %add3A_274 : i32
      %get3A_276 = arith.index_cast %add3A_275 : i32 to index
      %get3A_277 = arith.constant 112 : index
      %get3A_278 = tpu.vector_load %arg6[%get3A_276, %get3A_277] {strides = array<i32>} : memref<512x128xf32, #tpu.memory_space<vmem>>, vector<16xf32>,
      %select_n3A_279 = arith.select %gt3A_196, %get3A_278, %broadcast_in_dim3A_3 : vector<16xf32>
      %add3A_280 = arith.constant 1 : i32
      %add3A_281 = arith.addi %mul3A_106, %add3A_280 : i32
      %swap3A_282 = arith.index_cast %add3A_281 : i32 to index
      %swap3A_283 = arith.constant 112 : index
      %swap3A_284 = tpu.vector_load %arg8[%swap3A_282, %swap3A_283] {strides = array<i32>} : memref<256x128xf32, #tpu.memory_space<vmem>>, vector<16xf32>,
      tpu.vector_store %arg8[%swap3A_282, %swap3A_283], %select_n3A_279 {strides = array<i32>} : memref<256x128xf32, #tpu.memory_space<vmem>>, vector<16xf32>,
      %gt3A_285 = arith.constant 2 : i32
      %gt3A_286 = arith.cmpi sgt, %and3A_57, %gt3A_285 : i32
      %add3A_287 = arith.constant 2 : i32
      %add3A_288 = arith.addi %and3A_55, %add3A_287 : i32
      %get3A_289 = arith.index_cast %add3A_288 : i32 to index
      %get3A_290 = arith.constant 0 : index
      %get3A_291 = tpu.vector_load %arg6[%get3A_289, %get3A_290] {strides = array<i32>} : memref<512x128xf32, #tpu.memory_space<vmem>>, vector<16xf32>,
      %select_n3A_292 = arith.select %gt3A_286, %get3A_291, %broadcast_in_dim3A_3 : vector<16xf32>
      %add3A_293 = arith.constant 2 : i32
      %add3A_294 = arith.addi %mul3A_106, %add3A_293 : i32
      %swap3A_295 = arith.index_cast %add3A_294 : i32 to index
      %swap3A_296 = arith.constant 0 : index
      %swap3A_297 = tpu.vector_load %arg8[%swap3A_295, %swap3A_296] {strides = array<i32>} : memref<256x128xf32, #tpu.memory_space<vmem>>, vector<16xf32>,
      tpu.vector_store %arg8[%swap3A_295, %swap3A_296], %select_n3A_292 {strides = array<i32>} : memref<256x128xf32, #tpu.memory_space<vmem>>, vector<16xf32>,
      %add3A_298 = arith.constant 2 : i32
      %add3A_299 = arith.addi %and3A_55, %add3A_298 : i32
      %get3A_300 = arith.index_cast %add3A_299 : i32 to index
      %get3A_301 = arith.constant 16 : index
      %get3A_302 = tpu.vector_load %arg6[%get3A_300, %get3A_301] {strides = array<i32>} : memref<512x128xf32, #tpu.memory_space<vmem>>, vector<16xf32>,
      %select_n3A_303 = arith.select %gt3A_286, %get3A_302, %broadcast_in_dim3A_3 : vector<16xf32>
      %add3A_304 = arith.constant 2 : i32
      %add3A_305 = arith.addi %mul3A_106, %add3A_304 : i32
      %swap3A_306 = arith.index_cast %add3A_305 : i32 to index
      %swap3A_307 = arith.constant 16 : index
      %swap3A_308 = tpu.vector_load %arg8[%swap3A_306, %swap3A_307] {strides = array<i32>} : memref<256x128xf32, #tpu.memory_space<vmem>>, vector<16xf32>,
      tpu.vector_store %arg8[%swap3A_306, %swap3A_307], %select_n3A_303 {strides = array<i32>} : memref<256x128xf32, #tpu.memory_space<vmem>>, vector<16xf32>,
      %add3A_309 = arith.constant 2 : i32
      %add3A_310 = arith.addi %and3A_55, %add3A_309 : i32
      %get3A_311 = arith.index_cast %add3A_310 : i32 to index
      %get3A_312 = arith.constant 32 : index
      %get3A_313 = tpu.vector_load %arg6[%get3A_311, %get3A_312] {strides = array<i32>} : memref<512x128xf32, #tpu.memory_space<vmem>>, vector<16xf32>,
      %select_n3A_314 = arith.select %gt3A_286, %get3A_313, %broadcast_in_dim3A_3 : vector<16xf32>
      %add3A_315 = arith.constant 2 : i32
      %add3A_316 = arith.addi %mul3A_106, %add3A_315 : i32
      %swap3A_317 = arith.index_cast %add3A_316 : i32 to index
      %swap3A_318 = arith.constant 32 : index
      %swap3A_319 = tpu.vector_load %arg8[%swap3A_317, %swap3A_318] {strides = array<i32>} : memref<256x128xf32, #tpu.memory_space<vmem>>, vector<16xf32>,
      tpu.vector_store %arg8[%swap3A_317, %swap3A_318], %select_n3A_314 {strides = array<i32>} : memref<256x128xf32, #tpu.memory_space<vmem>>, vector<16xf32>,
      %add3A_320 = arith.constant 2 : i32
      %add3A_321 = arith.addi %and3A_55, %add3A_320 : i32
      %get3A_322 = arith.index_cast %add3A_321 : i32 to index
      %get3A_323 = arith.constant 48 : index
      %get3A_324 = tpu.vector_load %arg6[%get3A_322, %get3A_323] {strides = array<i32>} : memref<512x128xf32, #tpu.memory_space<vmem>>, vector<16xf32>,
      %select_n3A_325 = arith.select %gt3A_286, %get3A_324, %broadcast_in_dim3A_3 : vector<16xf32>
      %add3A_326 = arith.constant 2 : i32
      %add3A_327 = arith.addi %mul3A_106, %add3A_326 : i32
      %swap3A_328 = arith.index_cast %add3A_327 : i32 to index
      %swap3A_329 = arith.constant 48 : index
      %swap3A_330 = tpu.vector_load %arg8[%swap3A_328, %swap3A_329] {strides = array<i32>} : memref<256x128xf32, #tpu.memory_space<vmem>>, vector<16xf32>,
      tpu.vector_store %arg8[%swap3A_328, %swap3A_329], %select_n3A_325 {strides = array<i32>} : memref<256x128xf32, #tpu.memory_space<vmem>>, vector<16xf32>,
      %add3A_331 = arith.constant 2 : i32
      %add3A_332 = arith.addi %and3A_55, %add3A_331 : i32
      %get3A_333 = arith.index_cast %add3A_332 : i32 to index
      %get3A_334 = arith.constant 64 : index
      %get3A_335 = tpu.vector_load %arg6[%get3A_333, %get3A_334] {strides = array<i32>} : memref<512x128xf32, #tpu.memory_space<vmem>>, vector<16xf32>,
      %select_n3A_336 = arith.select %gt3A_286, %get3A_335, %broadcast_in_dim3A_3 : vector<16xf32>
      %add3A_337 = arith.constant 2 : i32
      %add3A_338 = arith.addi %mul3A_106, %add3A_337 : i32
      %swap3A_339 = arith.index_cast %add3A_338 : i32 to index
      %swap3A_340 = arith.constant 64 : index
      %swap3A_341 = tpu.vector_load %arg8[%swap3A_339, %swap3A_340] {strides = array<i32>} : memref<256x128xf32, #tpu.memory_space<vmem>>, vector<16xf32>,
      tpu.vector_store %arg8[%swap3A_339, %swap3A_340], %select_n3A_336 {strides = array<i32>} : memref<256x128xf32, #tpu.memory_space<vmem>>, vector<16xf32>,
      %add3A_342 = arith.constant 2 : i32
      %add3A_343 = arith.addi %and3A_55, %add3A_342 : i32
      %get3A_344 = arith.index_cast %add3A_343 : i32 to index
      %get3A_345 = arith.constant 80 : index
      %get3A_346 = tpu.vector_load %arg6[%get3A_344, %get3A_345] {strides = array<i32>} : memref<512x128xf32, #tpu.memory_space<vmem>>, vector<16xf32>,
      %select_n3A_347 = arith.select %gt3A_286, %get3A_346, %broadcast_in_dim3A_3 : vector<16xf32>
      %add3A_348 = arith.constant 2 : i32
      %add3A_349 = arith.addi %mul3A_106, %add3A_348 : i32
      %swap3A_350 = arith.index_cast %add3A_349 : i32 to index
      %swap3A_351 = arith.constant 80 : index
      %swap3A_352 = tpu.vector_load %arg8[%swap3A_350, %swap3A_351] {strides = array<i32>} : memref<256x128xf32, #tpu.memory_space<vmem>>, vector<16xf32>,
      tpu.vector_store %arg8[%swap3A_350, %swap3A_351], %select_n3A_347 {strides = array<i32>} : memref<256x128xf32, #tpu.memory_space<vmem>>, vector<16xf32>,
      %add3A_353 = arith.constant 2 : i32
      %add3A_354 = arith.addi %and3A_55, %add3A_353 : i32
      %get3A_355 = arith.index_cast %add3A_354 : i32 to index
      %get3A_356 = arith.constant 96 : index
      %get3A_357 = tpu.vector_load %arg6[%get3A_355, %get3A_356] {strides = array<i32>} : memref<512x128xf32, #tpu.memory_space<vmem>>, vector<16xf32>,
      %select_n3A_358 = arith.select %gt3A_286, %get3A_357, %broadcast_in_dim3A_3 : vector<16xf32>
      %add3A_359 = arith.constant 2 : i32
      %add3A_360 = arith.addi %mul3A_106, %add3A_359 : i32
      %swap3A_361 = arith.index_cast %add3A_360 : i32 to index
      %swap3A_362 = arith.constant 96 : index
      %swap3A_363 = tpu.vector_load %arg8[%swap3A_361, %swap3A_362] {strides = array<i32>} : memref<256x128xf32, #tpu.memory_space<vmem>>, vector<16xf32>,
      tpu.vector_store %arg8[%swap3A_361, %swap3A_362], %select_n3A_358 {strides = array<i32>} : memref<256x128xf32, #tpu.memory_space<vmem>>, vector<16xf32>,
      %add3A_364 = arith.constant 2 : i32
      %add3A_365 = arith.addi %and3A_55, %add3A_364 : i32
      %get3A_366 = arith.index_cast %add3A_365 : i32 to index
      %get3A_367 = arith.constant 112 : index
      %get3A_368 = tpu.vector_load %arg6[%get3A_366, %get3A_367] {strides = array<i32>} : memref<512x128xf32, #tpu.memory_space<vmem>>, vector<16xf32>,
      %select_n3A_369 = arith.select %gt3A_286, %get3A_368, %broadcast_in_dim3A_3 : vector<16xf32>
      %add3A_370 = arith.constant 2 : i32
      %add3A_371 = arith.addi %mul3A_106, %add3A_370 : i32
      %swap3A_372 = arith.index_cast %add3A_371 : i32 to index
      %swap3A_373 = arith.constant 112 : index
      %swap3A_374 = tpu.vector_load %arg8[%swap3A_372, %swap3A_373] {strides = array<i32>} : memref<256x128xf32, #tpu.memory_space<vmem>>, vector<16xf32>,
      tpu.vector_store %arg8[%swap3A_372, %swap3A_373], %select_n3A_369 {strides = array<i32>} : memref<256x128xf32, #tpu.memory_space<vmem>>, vector<16xf32>,
      %gt3A_375 = arith.constant 3 : i32
      %gt3A_376 = arith.cmpi sgt, %and3A_57, %gt3A_375 : i32
      %add3A_377 = arith.constant 3 : i32
      %add3A_378 = arith.addi %and3A_55, %add3A_377 : i32
      %get3A_379 = arith.index_cast %add3A_378 : i32 to index
      %get3A_380 = arith.constant 0 : index
      %get3A_381 = tpu.vector_load %arg6[%get3A_379, %get3A_380] {strides = array<i32>} : memref<512x128xf32, #tpu.memory_space<vmem>>, vector<16xf32>,
      %select_n3A_382 = arith.select %gt3A_376, %get3A_381, %broadcast_in_dim3A_3 : vector<16xf32>
      %add3A_383 = arith.constant 3 : i32
      %add3A_384 = arith.addi %mul3A_106, %add3A_383 : i32
      %swap3A_385 = arith.index_cast %add3A_384 : i32 to index
      %swap3A_386 = arith.constant 0 : index
      %swap3A_387 = tpu.vector_load %arg8[%swap3A_385, %swap3A_386] {strides = array<i32>} : memref<256x128xf32, #tpu.memory_space<vmem>>, vector<16xf32>,
      tpu.vector_store %arg8[%swap3A_385, %swap3A_386], %select_n3A_382 {strides = array<i32>} : memref<256x128xf32, #tpu.memory_space<vmem>>, vector<16xf32>,
      %add3A_388 = arith.constant 3 : i32
      %add3A_389 = arith.addi %and3A_55, %add3A_388 : i32
      %get3A_390 = arith.index_cast %add3A_389 : i32 to index
      %get3A_391 = arith.constant 16 : index
      %get3A_392 = tpu.vector_load %arg6[%get3A_390, %get3A_391] {strides = array<i32>} : memref<512x128xf32, #tpu.memory_space<vmem>>, vector<16xf32>,
      %select_n3A_393 = arith.select %gt3A_376, %get3A_392, %broadcast_in_dim3A_3 : vector<16xf32>
      %add3A_394 = arith.constant 3 : i32
      %add3A_395 = arith.addi %mul3A_106, %add3A_394 : i32
      %swap3A_396 = arith.index_cast %add3A_395 : i32 to index
      %swap3A_397 = arith.constant 16 : index
      %swap3A_398 = tpu.vector_load %arg8[%swap3A_396, %swap3A_397] {strides = array<i32>} : memref<256x128xf32, #tpu.memory_space<vmem>>, vector<16xf32>,
      tpu.vector_store %arg8[%swap3A_396, %swap3A_397], %select_n3A_393 {strides = array<i32>} : memref<256x128xf32, #tpu.memory_space<vmem>>, vector<16xf32>,
      %add3A_399 = arith.constant 3 : i32
      %add3A_400 = arith.addi %and3A_55, %add3A_399 : i32
      %get3A_401 = arith.index_cast %add3A_400 : i32 to index
      %get3A_402 = arith.constant 32 : index
      %get3A_403 = tpu.vector_load %arg6[%get3A_401, %get3A_402] {strides = array<i32>} : memref<512x128xf32, #tpu.memory_space<vmem>>, vector<16xf32>,
      %select_n3A_404 = arith.select %gt3A_376, %get3A_403, %broadcast_in_dim3A_3 : vector<16xf32>
      %add3A_405 = arith.constant 3 : i32
      %add3A_406 = arith.addi %mul3A_106, %add3A_405 : i32
      %swap3A_407 = arith.index_cast %add3A_406 : i32 to index
      %swap3A_408 = arith.constant 32 : index
      %swap3A_409 = tpu.vector_load %arg8[%swap3A_407, %swap3A_408] {strides = array<i32>} : memref<256x128xf32, #tpu.memory_space<vmem>>, vector<16xf32>,
      tpu.vector_store %arg8[%swap3A_407, %swap3A_408], %select_n3A_404 {strides = array<i32>} : memref<256x128xf32, #tpu.memory_space<vmem>>, vector<16xf32>,
      %add3A_410 = arith.constant 3 : i32
      %add3A_411 = arith.addi %and3A_55, %add3A_410 : i32
      %get3A_412 = arith.index_cast %add3A_411 : i32 to index
      %get3A_413 = arith.constant 48 : index
      %get3A_414 = tpu.vector_load %arg6[%get3A_412, %get3A_413] {strides = array<i32>} : memref<512x128xf32, #tpu.memory_space<vmem>>, vector<16xf32>,
      %select_n3A_415 = arith.select %gt3A_376, %get3A_414, %broadcast_in_dim3A_3 : vector<16xf32>
      %add3A_416 = arith.constant 3 : i32
      %add3A_417 = arith.addi %mul3A_106, %add3A_416 : i32
      %swap3A_418 = arith.index_cast %add3A_417 : i32 to index
      %swap3A_419 = arith.constant 48 : index
      %swap3A_420 = tpu.vector_load %arg8[%swap3A_418, %swap3A_419] {strides = array<i32>} : memref<256x128xf32, #tpu.memory_space<vmem>>, vector<16xf32>,
      tpu.vector_store %arg8[%swap3A_418, %swap3A_419], %select_n3A_415 {strides = array<i32>} : memref<256x128xf32, #tpu.memory_space<vmem>>, vector<16xf32>,
      %add3A_421 = arith.constant 3 : i32
      %add3A_422 = arith.addi %and3A_55, %add3A_421 : i32
      %get3A_423 = arith.index_cast %add3A_422 : i32 to index
      %get3A_424 = arith.constant 64 : index
      %get3A_425 = tpu.vector_load %arg6[%get3A_423, %get3A_424] {strides = array<i32>} : memref<512x128xf32, #tpu.memory_space<vmem>>, vector<16xf32>,
      %select_n3A_426 = arith.select %gt3A_376, %get3A_425, %broadcast_in_dim3A_3 : vector<16xf32>
      %add3A_427 = arith.constant 3 : i32
      %add3A_428 = arith.addi %mul3A_106, %add3A_427 : i32
      %swap3A_429 = arith.index_cast %add3A_428 : i32 to index
      %swap3A_430 = arith.constant 64 : index
      %swap3A_431 = tpu.vector_load %arg8[%swap3A_429, %swap3A_430] {strides = array<i32>} : memref<256x128xf32, #tpu.memory_space<vmem>>, vector<16xf32>,
      tpu.vector_store %arg8[%swap3A_429, %swap3A_430], %select_n3A_426 {strides = array<i32>} : memref<256x128xf32, #tpu.memory_space<vmem>>, vector<16xf32>,
      %add3A_432 = arith.constant 3 : i32
      %add3A_433 = arith.addi %and3A_55, %add3A_432 : i32
      %get3A_434 = arith.index_cast %add3A_433 : i32 to index
      %get3A_435 = arith.constant 80 : index
      %get3A_436 = tpu.vector_load %arg6[%get3A_434, %get3A_435] {strides = array<i32>} : memref<512x128xf32, #tpu.memory_space<vmem>>, vector<16xf32>,
      %select_n3A_437 = arith.select %gt3A_376, %get3A_436, %broadcast_in_dim3A_3 : vector<16xf32>
      %add3A_438 = arith.constant 3 : i32
      %add3A_439 = arith.addi %mul3A_106, %add3A_438 : i32
      %swap3A_440 = arith.index_cast %add3A_439 : i32 to index
      %swap3A_441 = arith.constant 80 : index
      %swap3A_442 = tpu.vector_load %arg8[%swap3A_440, %swap3A_441] {strides = array<i32>} : memref<256x128xf32, #tpu.memory_space<vmem>>, vector<16xf32>,
      tpu.vector_store %arg8[%swap3A_440, %swap3A_441], %select_n3A_437 {strides = array<i32>} : memref<256x128xf32, #tpu.memory_space<vmem>>, vector<16xf32>,
      %add3A_443 = arith.constant 3 : i32
      %add3A_444 = arith.addi %and3A_55, %add3A_443 : i32
      %get3A_445 = arith.index_cast %add3A_444 : i32 to index
      %get3A_446 = arith.constant 96 : index
      %get3A_447 = tpu.vector_load %arg6[%get3A_445, %get3A_446] {strides = array<i32>} : memref<512x128xf32, #tpu.memory_space<vmem>>, vector<16xf32>,
      %select_n3A_448 = arith.select %gt3A_376, %get3A_447, %broadcast_in_dim3A_3 : vector<16xf32>
      %add3A_449 = arith.constant 3 : i32
      %add3A_450 = arith.addi %mul3A_106, %add3A_449 : i32
      %swap3A_451 = arith.index_cast %add3A_450 : i32 to index
      %swap3A_452 = arith.constant 96 : index
      %swap3A_453 = tpu.vector_load %arg8[%swap3A_451, %swap3A_452] {strides = array<i32>} : memref<256x128xf32, #tpu.memory_space<vmem>>, vector<16xf32>,
      tpu.vector_store %arg8[%swap3A_451, %swap3A_452], %select_n3A_448 {strides = array<i32>} : memref<256x128xf32, #tpu.memory_space<vmem>>, vector<16xf32>,
      %add3A_454 = arith.constant 3 : i32
      %add3A_455 = arith.addi %and3A_55, %add3A_454 : i32
      %get3A_456 = arith.index_cast %add3A_455 : i32 to index
      %get3A_457 = arith.constant 112 : index
      %get3A_458 = tpu.vector_load %arg6[%get3A_456, %get3A_457] {strides = array<i32>} : memref<512x128xf32, #tpu.memory_space<vmem>>, vector<16xf32>,
      %select_n3A_459 = arith.select %gt3A_376, %get3A_458, %broadcast_in_dim3A_3 : vector<16xf32>
      %add3A_460 = arith.constant 3 : i32
      %add3A_461 = arith.addi %mul3A_106, %add3A_460 : i32
      %swap3A_462 = arith.index_cast %add3A_461 : i32 to index
      %swap3A_463 = arith.constant 112 : index
      %swap3A_464 = tpu.vector_load %arg8[%swap3A_462, %swap3A_463] {strides = array<i32>} : memref<256x128xf32, #tpu.memory_space<vmem>>, vector<16xf32>,
      tpu.vector_store %arg8[%swap3A_462, %swap3A_463], %select_n3A_459 {strides = array<i32>} : memref<256x128xf32, #tpu.memory_space<vmem>>, vector<16xf32>,
      %gt3A_465 = arith.constant 4 : i32
      %gt3A_466 = arith.cmpi sgt, %and3A_57, %gt3A_465 : i32
      %add3A_467 = arith.constant 4 : i32
      %add3A_468 = arith.addi %and3A_55, %add3A_467 : i32
      %get3A_469 = arith.index_cast %add3A_468 : i32 to index
      %get3A_470 = arith.constant 0 : index
      %get3A_471 = tpu.vector_load %arg6[%get3A_469, %get3A_470] {strides = array<i32>} : memref<512x128xf32, #tpu.memory_space<vmem>>, vector<16xf32>,
      %select_n3A_472 = arith.select %gt3A_466, %get3A_471, %broadcast_in_dim3A_3 : vector<16xf32>
      %add3A_473 = arith.constant 4 : i32
      %add3A_474 = arith.addi %mul3A_106, %add3A_473 : i32
      %swap3A_475 = arith.index_cast %add3A_474 : i32 to index
      %swap3A_476 = arith.constant 0 : index
      %swap3A_477 = tpu.vector_load %arg8[%swap3A_475, %swap3A_476] {strides = array<i32>} : memref<256x128xf32, #tpu.memory_space<vmem>>, vector<16xf32>,
      tpu.vector_store %arg8[%swap3A_475, %swap3A_476], %select_n3A_472 {strides = array<i32>} : memref<256x128xf32, #tpu.memory_space<vmem>>, vector<16xf32>,
      %add3A_478 = arith.constant 4 : i32
      %add3A_479 = arith.addi %and3A_55, %add3A_478 : i32
      %get3A_480 = arith.index_cast %add3A_479 : i32 to index
      %get3A_481 = arith.constant 16 : index
      %get3A_482 = tpu.vector_load %arg6[%get3A_480, %get3A_481] {strides = array<i32>} : memref<512x128xf32, #tpu.memory_space<vmem>>, vector<16xf32>,
      %select_n3A_483 = arith.select %gt3A_466, %get3A_482, %broadcast_in_dim3A_3 : vector<16xf32>
      %add3A_484 = arith.constant 4 : i32
      %add3A_485 = arith.addi %mul3A_106, %add3A_484 : i32
      %swap3A_486 = arith.index_cast %add3A_485 : i32 to index
      %swap3A_487 = arith.constant 16 : index
      %swap3A_488 = tpu.vector_load %arg8[%swap3A_486, %swap3A_487] {strides = array<i32>} : memref<256x128xf32, #tpu.memory_space<vmem>>, vector<16xf32>,
      tpu.vector_store %arg8[%swap3A_486, %swap3A_487], %select_n3A_483 {strides = array<i32>} : memref<256x128xf32, #tpu.memory_space<vmem>>, vector<16xf32>,
      %add3A_489 = arith.constant 4 : i32
      %add3A_490 = arith.addi %and3A_55, %add3A_489 : i32
      %get3A_491 = arith.index_cast %add3A_490 : i32 to index
      %get3A_492 = arith.constant 32 : index
      %get3A_493 = tpu.vector_load %arg6[%get3A_491, %get3A_492] {strides = array<i32>} : memref<512x128xf32, #tpu.memory_space<vmem>>, vector<16xf32>,
      %select_n3A_494 = arith.select %gt3A_466, %get3A_493, %broadcast_in_dim3A_3 : vector<16xf32>
      %add3A_495 = arith.constant 4 : i32
      %add3A_496 = arith.addi %mul3A_106, %add3A_495 : i32
      %swap3A_497 = arith.index_cast %add3A_496 : i32 to index
      %swap3A_498 = arith.constant 32 : index
      %swap3A_499 = tpu.vector_load %arg8[%swap3A_497, %swap3A_498] {strides = array<i32>} : memref<256x128xf32, #tpu.memory_space<vmem>>, vector<16xf32>,
      tpu.vector_store %arg8[%swap3A_497, %swap3A_498], %select_n3A_494 {strides = array<i32>} : memref<256x128xf32, #tpu.memory_space<vmem>>, vector<16xf32>,
      %add3A_500 = arith.constant 4 : i32
      %add3A_501 = arith.addi %and3A_55, %add3A_500 : i32
      %get3A_502 = arith.index_cast %add3A_501 : i32 to index
      %get3A_503 = arith.constant 48 : index
      %get3A_504 = tpu.vector_load %arg6[%get3A_502, %get3A_503] {strides = array<i32>} : memref<512x128xf32, #tpu.memory_space<vmem>>, vector<16xf32>,
      %select_n3A_505 = arith.select %gt3A_466, %get3A_504, %broadcast_in_dim3A_3 : vector<16xf32>
      %add3A_506 = arith.constant 4 : i32
      %add3A_507 = arith.addi %mul3A_106, %add3A_506 : i32
      %swap3A_508 = arith.index_cast %add3A_507 : i32 to index
      %swap3A_509 = arith.constant 48 : index
      %swap3A_510 = tpu.vector_load %arg8[%swap3A_508, %swap3A_509] {strides = array<i32>} : memref<256x128xf32, #tpu.memory_space<vmem>>, vector<16xf32>,
      tpu.vector_store %arg8[%swap3A_508, %swap3A_509], %select_n3A_505 {strides = array<i32>} : memref<256x128xf32, #tpu.memory_space<vmem>>, vector<16xf32>,
      %add3A_511 = arith.constant 4 : i32
      %add3A_512 = arith.addi %and3A_55, %add3A_511 : i32
      %get3A_513 = arith.index_cast %add3A_512 : i32 to index
      %get3A_514 = arith.constant 64 : index
      %get3A_515 = tpu.vector_load %arg6[%get3A_513, %get3A_514] {strides = array<i32>} : memref<512x128xf32, #tpu.memory_space<vmem>>, vector<16xf32>,
      %select_n3A_516 = arith.select %gt3A_466, %get3A_515, %broadcast_in_dim3A_3 : vector<16xf32>
      %add3A_517 = arith.constant 4 : i32
      %add3A_518 = arith.addi %mul3A_106, %add3A_517 : i32
      %swap3A_519 = arith.index_cast %add3A_518 : i32 to index
      %swap3A_520 = arith.constant 64 : index
      %swap3A_521 = tpu.vector_load %arg8[%swap3A_519, %swap3A_520] {strides = array<i32>} : memref<256x128xf32, #tpu.memory_space<vmem>>, vector<16xf32>,
      tpu.vector_store %arg8[%swap3A_519, %swap3A_520], %select_n3A_516 {strides = array<i32>} : memref<256x128xf32, #tpu.memory_space<vmem>>, vector<16xf32>,
      %add3A_522 = arith.constant 4 : i32
      %add3A_523 = arith.addi %and3A_55, %add3A_522 : i32
      %get3A_524 = arith.index_cast %add3A_523 : i32 to index
      %get3A_525 = arith.constant 80 : index
      %get3A_526 = tpu.vector_load %arg6[%get3A_524, %get3A_525] {strides = array<i32>} : memref<512x128xf32, #tpu.memory_space<vmem>>, vector<16xf32>,
      %select_n3A_527 = arith.select %gt3A_466, %get3A_526, %broadcast_in_dim3A_3 : vector<16xf32>
      %add3A_528 = arith.constant 4 : i32
      %add3A_529 = arith.addi %mul3A_106, %add3A_528 : i32
      %swap3A_530 = arith.index_cast %add3A_529 : i32 to index
      %swap3A_531 = arith.constant 80 : index
      %swap3A_532 = tpu.vector_load %arg8[%swap3A_530, %swap3A_531] {strides = array<i32>} : memref<256x128xf32, #tpu.memory_space<vmem>>, vector<16xf32>,
      tpu.vector_store %arg8[%swap3A_530, %swap3A_531], %select_n3A_527 {strides = array<i32>} : memref<256x128xf32, #tpu.memory_space<vmem>>, vector<16xf32>,
      %add3A_533 = arith.constant 4 : i32
      %add3A_534 = arith.addi %and3A_55, %add3A_533 : i32
      %get3A_535 = arith.index_cast %add3A_534 : i32 to index
      %get3A_536 = arith.constant 96 : index
      %get3A_537 = tpu.vector_load %arg6[%get3A_535, %get3A_536] {strides = array<i32>} : memref<512x128xf32, #tpu.memory_space<vmem>>, vector<16xf32>,
      %select_n3A_538 = arith.select %gt3A_466, %get3A_537, %broadcast_in_dim3A_3 : vector<16xf32>
      %add3A_539 = arith.constant 4 : i32
      %add3A_540 = arith.addi %mul3A_106, %add3A_539 : i32
      %swap3A_541 = arith.index_cast %add3A_540 : i32 to index
      %swap3A_542 = arith.constant 96 : index
      %swap3A_543 = tpu.vector_load %arg8[%swap3A_541, %swap3A_542] {strides = array<i32>} : memref<256x128xf32, #tpu.memory_space<vmem>>, vector<16xf32>,
      tpu.vector_store %arg8[%swap3A_541, %swap3A_542], %select_n3A_538 {strides = array<i32>} : memref<256x128xf32, #tpu.memory_space<vmem>>, vector<16xf32>,
      %add3A_544 = arith.constant 4 : i32
      %add3A_545 = arith.addi %and3A_55, %add3A_544 : i32
      %get3A_546 = arith.index_cast %add3A_545 : i32 to index
      %get3A_547 = arith.constant 112 : index
      %get3A_548 = tpu.vector_load %arg6[%get3A_546, %get3A_547] {strides = array<i32>} : memref<512x128xf32, #tpu.memory_space<vmem>>, vector<16xf32>,
      %select_n3A_549 = arith.select %gt3A_466, %get3A_548, %broadcast_in_dim3A_3 : vector<16xf32>
      %add3A_550 = arith.constant 4 : i32
      %add3A_551 = arith.addi %mul3A_106, %add3A_550 : i32
      %swap3A_552 = arith.index_cast %add3A_551 : i32 to index
      %swap3A_553 = arith.constant 112 : index
      %swap3A_554 = tpu.vector_load %arg8[%swap3A_552, %swap3A_553] {strides = array<i32>} : memref<256x128xf32, #tpu.memory_space<vmem>>, vector<16xf32>,
      tpu.vector_store %arg8[%swap3A_552, %swap3A_553], %select_n3A_549 {strides = array<i32>} : memref<256x128xf32, #tpu.memory_space<vmem>>, vector<16xf32>,
      %gt3A_555 = arith.constant 5 : i32
      %gt3A_556 = arith.cmpi sgt, %and3A_57, %gt3A_555 : i32
      %add3A_557 = arith.constant 5 : i32
      %add3A_558 = arith.addi %and3A_55, %add3A_557 : i32
      %get3A_559 = arith.index_cast %add3A_558 : i32 to index
      %get3A_560 = arith.constant 0 : index
      %get3A_561 = tpu.vector_load %arg6[%get3A_559, %get3A_560] {strides = array<i32>} : memref<512x128xf32, #tpu.memory_space<vmem>>, vector<16xf32>,
      %select_n3A_562 = arith.select %gt3A_556, %get3A_561, %broadcast_in_dim3A_3 : vector<16xf32>
      %add3A_563 = arith.constant 5 : i32
      %add3A_564 = arith.addi %mul3A_106, %add3A_563 : i32
      %swap3A_565 = arith.index_cast %add3A_564 : i32 to index
      %swap3A_566 = arith.constant 0 : index
      %swap3A_567 = tpu.vector_load %arg8[%swap3A_565, %swap3A_566] {strides = array<i32>} : memref<256x128xf32, #tpu.memory_space<vmem>>, vector<16xf32>,
      tpu.vector_store %arg8[%swap3A_565, %swap3A_566], %select_n3A_562 {strides = array<i32>} : memref<256x128xf32, #tpu.memory_space<vmem>>, vector<16xf32>,
      %add3A_568 = arith.constant 5 : i32
      %add3A_569 = arith.addi %and3A_55, %add3A_568 : i32
      %get3A_570 = arith.index_cast %add3A_569 : i32 to index
      %get3A_571 = arith.constant 16 : index
      %get3A_572 = tpu.vector_load %arg6[%get3A_570, %get3A_571] {strides = array<i32>} : memref<512x128xf32, #tpu.memory_space<vmem>>, vector<16xf32>,
      %select_n3A_573 = arith.select %gt3A_556, %get3A_572, %broadcast_in_dim3A_3 : vector<16xf32>
      %add3A_574 = arith.constant 5 : i32
      %add3A_575 = arith.addi %mul3A_106, %add3A_574 : i32
      %swap3A_576 = arith.index_cast %add3A_575 : i32 to index
      %swap3A_577 = arith.constant 16 : index
      %swap3A_578 = tpu.vector_load %arg8[%swap3A_576, %swap3A_577] {strides = array<i32>} : memref<256x128xf32, #tpu.memory_space<vmem>>, vector<16xf32>,
      tpu.vector_store %arg8[%swap3A_576, %swap3A_577], %select_n3A_573 {strides = array<i32>} : memref<256x128xf32, #tpu.memory_space<vmem>>, vector<16xf32>,
      %add3A_579 = arith.constant 5 : i32
      %add3A_580 = arith.addi %and3A_55, %add3A_579 : i32
      %get3A_581 = arith.index_cast %add3A_580 : i32 to index
      %get3A_582 = arith.constant 32 : index
      %get3A_583 = tpu.vector_load %arg6[%get3A_581, %get3A_582] {strides = array<i32>} : memref<512x128xf32, #tpu.memory_space<vmem>>, vector<16xf32>,
      %select_n3A_584 = arith.select %gt3A_556, %get3A_583, %broadcast_in_dim3A_3 : vector<16xf32>
      %add3A_585 = arith.constant 5 : i32
      %add3A_586 = arith.addi %mul3A_106, %add3A_585 : i32
      %swap3A_587 = arith.index_cast %add3A_586 : i32 to index
      %swap3A_588 = arith.constant 32 : index
      %swap3A_589 = tpu.vector_load %arg8[%swap3A_587, %swap3A_588] {strides = array<i32>} : memref<256x128xf32, #tpu.memory_space<vmem>>, vector<16xf32>,
      tpu.vector_store %arg8[%swap3A_587, %swap3A_588], %select_n3A_584 {strides = array<i32>} : memref<256x128xf32, #tpu.memory_space<vmem>>, vector<16xf32>,
      %add3A_590 = arith.constant 5 : i32
      %add3A_591 = arith.addi %and3A_55, %add3A_590 : i32
      %get3A_592 = arith.index_cast %add3A_591 : i32 to index
      %get3A_593 = arith.constant 48 : index
      %get3A_594 = tpu.vector_load %arg6[%get3A_592, %get3A_593] {strides = array<i32>} : memref<512x128xf32, #tpu.memory_space<vmem>>, vector<16xf32>,
      %select_n3A_595 = arith.select %gt3A_556, %get3A_594, %broadcast_in_dim3A_3 : vector<16xf32>
      %add3A_596 = arith.constant 5 : i32
      %add3A_597 = arith.addi %mul3A_106, %add3A_596 : i32
      %swap3A_598 = arith.index_cast %add3A_597 : i32 to index
      %swap3A_599 = arith.constant 48 : index
      %swap3A_600 = tpu.vector_load %arg8[%swap3A_598, %swap3A_599] {strides = array<i32>} : memref<256x128xf32, #tpu.memory_space<vmem>>, vector<16xf32>,
      tpu.vector_store %arg8[%swap3A_598, %swap3A_599], %select_n3A_595 {strides = array<i32>} : memref<256x128xf32, #tpu.memory_space<vmem>>, vector<16xf32>,
      %add3A_601 = arith.constant 5 : i32
      %add3A_602 = arith.addi %and3A_55, %add3A_601 : i32
      %get3A_603 = arith.index_cast %add3A_602 : i32 to index
      %get3A_604 = arith.constant 64 : index
      %get3A_605 = tpu.vector_load %arg6[%get3A_603, %get3A_604] {strides = array<i32>} : memref<512x128xf32, #tpu.memory_space<vmem>>, vector<16xf32>,
      %select_n3A_606 = arith.select %gt3A_556, %get3A_605, %broadcast_in_dim3A_3 : vector<16xf32>
      %add3A_607 = arith.constant 5 : i32
      %add3A_608 = arith.addi %mul3A_106, %add3A_607 : i32
      %swap3A_609 = arith.index_cast %add3A_608 : i32 to index
      %swap3A_610 = arith.constant 64 : index
      %swap3A_611 = tpu.vector_load %arg8[%swap3A_609, %swap3A_610] {strides = array<i32>} : memref<256x128xf32, #tpu.memory_space<vmem>>, vector<16xf32>,
      tpu.vector_store %arg8[%swap3A_609, %swap3A_610], %select_n3A_606 {strides = array<i32>} : memref<256x128xf32, #tpu.memory_space<vmem>>, vector<16xf32>,
      %add3A_612 = arith.constant 5 : i32
      %add3A_613 = arith.addi %and3A_55, %add3A_612 : i32
      %get3A_614 = arith.index_cast %add3A_613 : i32 to index
      %get3A_615 = arith.constant 80 : index
      %get3A_616 = tpu.vector_load %arg6[%get3A_614, %get3A_615] {strides = array<i32>} : memref<512x128xf32, #tpu.memory_space<vmem>>, vector<16xf32>,
      %select_n3A_617 = arith.select %gt3A_556, %get3A_616, %broadcast_in_dim3A_3 : vector<16xf32>
      %add3A_618 = arith.constant 5 : i32
      %add3A_619 = arith.addi %mul3A_106, %add3A_618 : i32
      %swap3A_620 = arith.index_cast %add3A_619 : i32 to index
      %swap3A_621 = arith.constant 80 : index
      %swap3A_622 = tpu.vector_load %arg8[%swap3A_620, %swap3A_621] {strides = array<i32>} : memref<256x128xf32, #tpu.memory_space<vmem>>, vector<16xf32>,
      tpu.vector_store %arg8[%swap3A_620, %swap3A_621], %select_n3A_617 {strides = array<i32>} : memref<256x128xf32, #tpu.memory_space<vmem>>, vector<16xf32>,
      %add3A_623 = arith.constant 5 : i32
      %add3A_624 = arith.addi %and3A_55, %add3A_623 : i32
      %get3A_625 = arith.index_cast %add3A_624 : i32 to index
      %get3A_626 = arith.constant 96 : index
      %get3A_627 = tpu.vector_load %arg6[%get3A_625, %get3A_626] {strides = array<i32>} : memref<512x128xf32, #tpu.memory_space<vmem>>, vector<16xf32>,
      %select_n3A_628 = arith.select %gt3A_556, %get3A_627, %broadcast_in_dim3A_3 : vector<16xf32>
      %add3A_629 = arith.constant 5 : i32
      %add3A_630 = arith.addi %mul3A_106, %add3A_629 : i32
      %swap3A_631 = arith.index_cast %add3A_630 : i32 to index
      %swap3A_632 = arith.constant 96 : index
      %swap3A_633 = tpu.vector_load %arg8[%swap3A_631, %swap3A_632] {strides = array<i32>} : memref<256x128xf32, #tpu.memory_space<vmem>>, vector<16xf32>,
      tpu.vector_store %arg8[%swap3A_631, %swap3A_632], %select_n3A_628 {strides = array<i32>} : memref<256x128xf32, #tpu.memory_space<vmem>>, vector<16xf32>,
      %add3A_634 = arith.constant 5 : i32
      %add3A_635 = arith.addi %and3A_55, %add3A_634 : i32
      %get3A_636 = arith.index_cast %add3A_635 : i32 to index
      %get3A_637 = arith.constant 112 : index
      %get3A_638 = tpu.vector_load %arg6[%get3A_636, %get3A_637] {strides = array<i32>} : memref<512x128xf32, #tpu.memory_space<vmem>>, vector<16xf32>,
      %select_n3A_639 = arith.select %gt3A_556, %get3A_638, %broadcast_in_dim3A_3 : vector<16xf32>
      %add3A_640 = arith.constant 5 : i32
      %add3A_641 = arith.addi %mul3A_106, %add3A_640 : i32
      %swap3A_642 = arith.index_cast %add3A_641 : i32 to index
      %swap3A_643 = arith.constant 112 : index
      %swap3A_644 = tpu.vector_load %arg8[%swap3A_642, %swap3A_643] {strides = array<i32>} : memref<256x128xf32, #tpu.memory_space<vmem>>, vector<16xf32>,
      tpu.vector_store %arg8[%swap3A_642, %swap3A_643], %select_n3A_639 {strides = array<i32>} : memref<256x128xf32, #tpu.memory_space<vmem>>, vector<16xf32>,
      %gt3A_645 = arith.constant 6 : i32
      %gt3A_646 = arith.cmpi sgt, %and3A_57, %gt3A_645 : i32
      %add3A_647 = arith.constant 6 : i32
      %add3A_648 = arith.addi %and3A_55, %add3A_647 : i32
      %get3A_649 = arith.index_cast %add3A_648 : i32 to index
      %get3A_650 = arith.constant 0 : index
      %get3A_651 = tpu.vector_load %arg6[%get3A_649, %get3A_650] {strides = array<i32>} : memref<512x128xf32, #tpu.memory_space<vmem>>, vector<16xf32>,
      %select_n3A_652 = arith.select %gt3A_646, %get3A_651, %broadcast_in_dim3A_3 : vector<16xf32>
      %add3A_653 = arith.constant 6 : i32
      %add3A_654 = arith.addi %mul3A_106, %add3A_653 : i32
      %swap3A_655 = arith.index_cast %add3A_654 : i32 to index
      %swap3A_656 = arith.constant 0 : index
      %swap3A_657 = tpu.vector_load %arg8[%swap3A_655, %swap3A_656] {strides = array<i32>} : memref<256x128xf32, #tpu.memory_space<vmem>>, vector<16xf32>,
      tpu.vector_store %arg8[%swap3A_655, %swap3A_656], %select_n3A_652 {strides = array<i32>} : memref<256x128xf32, #tpu.memory_space<vmem>>, vector<16xf32>,
      %add3A_658 = arith.constant 6 : i32
      %add3A_659 = arith.addi %and3A_55, %add3A_658 : i32
      %get3A_660 = arith.index_cast %add3A_659 : i32 to index
      %get3A_661 = arith.constant 16 : index
      %get3A_662 = tpu.vector_load %arg6[%get3A_660, %get3A_661] {strides = array<i32>} : memref<512x128xf32, #tpu.memory_space<vmem>>, vector<16xf32>,
      %select_n3A_663 = arith.select %gt3A_646, %get3A_662, %broadcast_in_dim3A_3 : vector<16xf32>
      %add3A_664 = arith.constant 6 : i32
      %add3A_665 = arith.addi %mul3A_106, %add3A_664 : i32
      %swap3A_666 = arith.index_cast %add3A_665 : i32 to index
      %swap3A_667 = arith.constant 16 : index
      %swap3A_668 = tpu.vector_load %arg8[%swap3A_666, %swap3A_667] {strides = array<i32>} : memref<256x128xf32, #tpu.memory_space<vmem>>, vector<16xf32>,
      tpu.vector_store %arg8[%swap3A_666, %swap3A_667], %select_n3A_663 {strides = array<i32>} : memref<256x128xf32, #tpu.memory_space<vmem>>, vector<16xf32>,
      %add3A_669 = arith.constant 6 : i32
      %add3A_670 = arith.addi %and3A_55, %add3A_669 : i32
      %get3A_671 = arith.index_cast %add3A_670 : i32 to index
      %get3A_672 = arith.constant 32 : index
      %get3A_673 = tpu.vector_load %arg6[%get3A_671, %get3A_672] {strides = array<i32>} : memref<512x128xf32, #tpu.memory_space<vmem>>, vector<16xf32>,
      %select_n3A_674 = arith.select %gt3A_646, %get3A_673, %broadcast_in_dim3A_3 : vector<16xf32>
      %add3A_675 = arith.constant 6 : i32
      %add3A_676 = arith.addi %mul3A_106, %add3A_675 : i32
      %swap3A_677 = arith.index_cast %add3A_676 : i32 to index
      %swap3A_678 = arith.constant 32 : index
      %swap3A_679 = tpu.vector_load %arg8[%swap3A_677, %swap3A_678] {strides = array<i32>} : memref<256x128xf32, #tpu.memory_space<vmem>>, vector<16xf32>,
      tpu.vector_store %arg8[%swap3A_677, %swap3A_678], %select_n3A_674 {strides = array<i32>} : memref<256x128xf32, #tpu.memory_space<vmem>>, vector<16xf32>,
      %add3A_680 = arith.constant 6 : i32
      %add3A_681 = arith.addi %and3A_55, %add3A_680 : i32
      %get3A_682 = arith.index_cast %add3A_681 : i32 to index
      %get3A_683 = arith.constant 48 : index
      %get3A_684 = tpu.vector_load %arg6[%get3A_682, %get3A_683] {strides = array<i32>} : memref<512x128xf32, #tpu.memory_space<vmem>>, vector<16xf32>,
      %select_n3A_685 = arith.select %gt3A_646, %get3A_684, %broadcast_in_dim3A_3 : vector<16xf32>
      %add3A_686 = arith.constant 6 : i32
      %add3A_687 = arith.addi %mul3A_106, %add3A_686 : i32
      %swap3A_688 = arith.index_cast %add3A_687 : i32 to index
      %swap3A_689 = arith.constant 48 : index
      %swap3A_690 = tpu.vector_load %arg8[%swap3A_688, %swap3A_689] {strides = array<i32>} : memref<256x128xf32, #tpu.memory_space<vmem>>, vector<16xf32>,
      tpu.vector_store %arg8[%swap3A_688, %swap3A_689], %select_n3A_685 {strides = array<i32>} : memref<256x128xf32, #tpu.memory_space<vmem>>, vector<16xf32>,
      %add3A_691 = arith.constant 6 : i32
      %add3A_692 = arith.addi %and3A_55, %add3A_691 : i32
      %get3A_693 = arith.index_cast %add3A_692 : i32 to index
      %get3A_694 = arith.constant 64 : index
      %get3A_695 = tpu.vector_load %arg6[%get3A_693, %get3A_694] {strides = array<i32>} : memref<512x128xf32, #tpu.memory_space<vmem>>, vector<16xf32>,
      %select_n3A_696 = arith.select %gt3A_646, %get3A_695, %broadcast_in_dim3A_3 : vector<16xf32>
      %add3A_697 = arith.constant 6 : i32
      %add3A_698 = arith.addi %mul3A_106, %add3A_697 : i32
      %swap3A_699 = arith.index_cast %add3A_698 : i32 to index
      %swap3A_700 = arith.constant 64 : index
      %swap3A_701 = tpu.vector_load %arg8[%swap3A_699, %swap3A_700] {strides = array<i32>} : memref<256x128xf32, #tpu.memory_space<vmem>>, vector<16xf32>,
      tpu.vector_store %arg8[%swap3A_699, %swap3A_700], %select_n3A_696 {strides = array<i32>} : memref<256x128xf32, #tpu.memory_space<vmem>>, vector<16xf32>,
      %add3A_702 = arith.constant 6 : i32
      %add3A_703 = arith.addi %and3A_55, %add3A_702 : i32
      %get3A_704 = arith.index_cast %add3A_703 : i32 to index
      %get3A_705 = arith.constant 80 : index
      %get3A_706 = tpu.vector_load %arg6[%get3A_704, %get3A_705] {strides = array<i32>} : memref<512x128xf32, #tpu.memory_space<vmem>>, vector<16xf32>,
      %select_n3A_707 = arith.select %gt3A_646, %get3A_706, %broadcast_in_dim3A_3 : vector<16xf32>
      %add3A_708 = arith.constant 6 : i32
      %add3A_709 = arith.addi %mul3A_106, %add3A_708 : i32
      %swap3A_710 = arith.index_cast %add3A_709 : i32 to index
      %swap3A_711 = arith.constant 80 : index
      %swap3A_712 = tpu.vector_load %arg8[%swap3A_710, %swap3A_711] {strides = array<i32>} : memref<256x128xf32, #tpu.memory_space<vmem>>, vector<16xf32>,
      tpu.vector_store %arg8[%swap3A_710, %swap3A_711], %select_n3A_707 {strides = array<i32>} : memref<256x128xf32, #tpu.memory_space<vmem>>, vector<16xf32>,
      %add3A_713 = arith.constant 6 : i32
      %add3A_714 = arith.addi %and3A_55, %add3A_713 : i32
      %get3A_715 = arith.index_cast %add3A_714 : i32 to index
      %get3A_716 = arith.constant 96 : index
      %get3A_717 = tpu.vector_load %arg6[%get3A_715, %get3A_716] {strides = array<i32>} : memref<512x128xf32, #tpu.memory_space<vmem>>, vector<16xf32>,
      %select_n3A_718 = arith.select %gt3A_646, %get3A_717, %broadcast_in_dim3A_3 : vector<16xf32>
      %add3A_719 = arith.constant 6 : i32
      %add3A_720 = arith.addi %mul3A_106, %add3A_719 : i32
      %swap3A_721 = arith.index_cast %add3A_720 : i32 to index
      %swap3A_722 = arith.constant 96 : index
      %swap3A_723 = tpu.vector_load %arg8[%swap3A_721, %swap3A_722] {strides = array<i32>} : memref<256x128xf32, #tpu.memory_space<vmem>>, vector<16xf32>,
      tpu.vector_store %arg8[%swap3A_721, %swap3A_722], %select_n3A_718 {strides = array<i32>} : memref<256x128xf32, #tpu.memory_space<vmem>>, vector<16xf32>,
      %add3A_724 = arith.constant 6 : i32
      %add3A_725 = arith.addi %and3A_55, %add3A_724 : i32
      %get3A_726 = arith.index_cast %add3A_725 : i32 to index
      %get3A_727 = arith.constant 112 : index
      %get3A_728 = tpu.vector_load %arg6[%get3A_726, %get3A_727] {strides = array<i32>} : memref<512x128xf32, #tpu.memory_space<vmem>>, vector<16xf32>,
      %select_n3A_729 = arith.select %gt3A_646, %get3A_728, %broadcast_in_dim3A_3 : vector<16xf32>
      %add3A_730 = arith.constant 6 : i32
      %add3A_731 = arith.addi %mul3A_106, %add3A_730 : i32
      %swap3A_732 = arith.index_cast %add3A_731 : i32 to index
      %swap3A_733 = arith.constant 112 : index
      %swap3A_734 = tpu.vector_load %arg8[%swap3A_732, %swap3A_733] {strides = array<i32>} : memref<256x128xf32, #tpu.memory_space<vmem>>, vector<16xf32>,
      tpu.vector_store %arg8[%swap3A_732, %swap3A_733], %select_n3A_729 {strides = array<i32>} : memref<256x128xf32, #tpu.memory_space<vmem>>, vector<16xf32>,
      %gt3A_735 = arith.constant 7 : i32
      %gt3A_736 = arith.cmpi sgt, %and3A_57, %gt3A_735 : i32
      %add3A_737 = arith.constant 7 : i32
      %add3A_738 = arith.addi %and3A_55, %add3A_737 : i32
      %get3A_739 = arith.index_cast %add3A_738 : i32 to index
      %get3A_740 = arith.constant 0 : index
      %get3A_741 = tpu.vector_load %arg6[%get3A_739, %get3A_740] {strides = array<i32>} : memref<512x128xf32, #tpu.memory_space<vmem>>, vector<16xf32>,
      %select_n3A_742 = arith.select %gt3A_736, %get3A_741, %broadcast_in_dim3A_3 : vector<16xf32>
      %add3A_743 = arith.constant 7 : i32
      %add3A_744 = arith.addi %mul3A_106, %add3A_743 : i32
      %swap3A_745 = arith.index_cast %add3A_744 : i32 to index
      %swap3A_746 = arith.constant 0 : index
      %swap3A_747 = tpu.vector_load %arg8[%swap3A_745, %swap3A_746] {strides = array<i32>} : memref<256x128xf32, #tpu.memory_space<vmem>>, vector<16xf32>,
      tpu.vector_store %arg8[%swap3A_745, %swap3A_746], %select_n3A_742 {strides = array<i32>} : memref<256x128xf32, #tpu.memory_space<vmem>>, vector<16xf32>,
      %add3A_748 = arith.constant 7 : i32
      %add3A_749 = arith.addi %and3A_55, %add3A_748 : i32
      %get3A_750 = arith.index_cast %add3A_749 : i32 to index
      %get3A_751 = arith.constant 16 : index
      %get3A_752 = tpu.vector_load %arg6[%get3A_750, %get3A_751] {strides = array<i32>} : memref<512x128xf32, #tpu.memory_space<vmem>>, vector<16xf32>,
      %select_n3A_753 = arith.select %gt3A_736, %get3A_752, %broadcast_in_dim3A_3 : vector<16xf32>
      %add3A_754 = arith.constant 7 : i32
      %add3A_755 = arith.addi %mul3A_106, %add3A_754 : i32
      %swap3A_756 = arith.index_cast %add3A_755 : i32 to index
      %swap3A_757 = arith.constant 16 : index
      %swap3A_758 = tpu.vector_load %arg8[%swap3A_756, %swap3A_757] {strides = array<i32>} : memref<256x128xf32, #tpu.memory_space<vmem>>, vector<16xf32>,
      tpu.vector_store %arg8[%swap3A_756, %swap3A_757], %select_n3A_753 {strides = array<i32>} : memref<256x128xf32, #tpu.memory_space<vmem>>, vector<16xf32>,
      %add3A_759 = arith.constant 7 : i32
      %add3A_760 = arith.addi %and3A_55, %add3A_759 : i32
      %get3A_761 = arith.index_cast %add3A_760 : i32 to index
      %get3A_762 = arith.constant 32 : index
      %get3A_763 = tpu.vector_load %arg6[%get3A_761, %get3A_762] {strides = array<i32>} : memref<512x128xf32, #tpu.memory_space<vmem>>, vector<16xf32>,
      %select_n3A_764 = arith.select %gt3A_736, %get3A_763, %broadcast_in_dim3A_3 : vector<16xf32>
      %add3A_765 = arith.constant 7 : i32
      %add3A_766 = arith.addi %mul3A_106, %add3A_765 : i32
      %swap3A_767 = arith.index_cast %add3A_766 : i32 to index
      %swap3A_768 = arith.constant 32 : index
      %swap3A_769 = tpu.vector_load %arg8[%swap3A_767, %swap3A_768] {strides = array<i32>} : memref<256x128xf32, #tpu.memory_space<vmem>>, vector<16xf32>,
      tpu.vector_store %arg8[%swap3A_767, %swap3A_768], %select_n3A_764 {strides = array<i32>} : memref<256x128xf32, #tpu.memory_space<vmem>>, vector<16xf32>,
      %add3A_770 = arith.constant 7 : i32
      %add3A_771 = arith.addi %and3A_55, %add3A_770 : i32
      %get3A_772 = arith.index_cast %add3A_771 : i32 to index
      %get3A_773 = arith.constant 48 : index
      %get3A_774 = tpu.vector_load %arg6[%get3A_772, %get3A_773] {strides = array<i32>} : memref<512x128xf32, #tpu.memory_space<vmem>>, vector<16xf32>,
      %select_n3A_775 = arith.select %gt3A_736, %get3A_774, %broadcast_in_dim3A_3 : vector<16xf32>
      %add3A_776 = arith.constant 7 : i32
      %add3A_777 = arith.addi %mul3A_106, %add3A_776 : i32
      %swap3A_778 = arith.index_cast %add3A_777 : i32 to index
      %swap3A_779 = arith.constant 48 : index
      %swap3A_780 = tpu.vector_load %arg8[%swap3A_778, %swap3A_779] {strides = array<i32>} : memref<256x128xf32, #tpu.memory_space<vmem>>, vector<16xf32>,
      tpu.vector_store %arg8[%swap3A_778, %swap3A_779], %select_n3A_775 {strides = array<i32>} : memref<256x128xf32, #tpu.memory_space<vmem>>, vector<16xf32>,
      %add3A_781 = arith.constant 7 : i32
      %add3A_782 = arith.addi %and3A_55, %add3A_781 : i32
      %get3A_783 = arith.index_cast %add3A_782 : i32 to index
      %get3A_784 = arith.constant 64 : index
      %get3A_785 = tpu.vector_load %arg6[%get3A_783, %get3A_784] {strides = array<i32>} : memref<512x128xf32, #tpu.memory_space<vmem>>, vector<16xf32>,
      %select_n3A_786 = arith.select %gt3A_736, %get3A_785, %broadcast_in_dim3A_3 : vector<16xf32>
      %add3A_787 = arith.constant 7 : i32
      %add3A_788 = arith.addi %mul3A_106, %add3A_787 : i32
      %swap3A_789 = arith.index_cast %add3A_788 : i32 to index
      %swap3A_790 = arith.constant 64 : index
      %swap3A_791 = tpu.vector_load %arg8[%swap3A_789, %swap3A_790] {strides = array<i32>} : memref<256x128xf32, #tpu.memory_space<vmem>>, vector<16xf32>,
      tpu.vector_store %arg8[%swap3A_789, %swap3A_790], %select_n3A_786 {strides = array<i32>} : memref<256x128xf32, #tpu.memory_space<vmem>>, vector<16xf32>,
      %add3A_792 = arith.constant 7 : i32
      %add3A_793 = arith.addi %and3A_55, %add3A_792 : i32
      %get3A_794 = arith.index_cast %add3A_793 : i32 to index
      %get3A_795 = arith.constant 80 : index
      %get3A_796 = tpu.vector_load %arg6[%get3A_794, %get3A_795] {strides = array<i32>} : memref<512x128xf32, #tpu.memory_space<vmem>>, vector<16xf32>,
      %select_n3A_797 = arith.select %gt3A_736, %get3A_796, %broadcast_in_dim3A_3 : vector<16xf32>
      %add3A_798 = arith.constant 7 : i32
      %add3A_799 = arith.addi %mul3A_106, %add3A_798 : i32
      %swap3A_800 = arith.index_cast %add3A_799 : i32 to index
      %swap3A_801 = arith.constant 80 : index
      %swap3A_802 = tpu.vector_load %arg8[%swap3A_800, %swap3A_801] {strides = array<i32>} : memref<256x128xf32, #tpu.memory_space<vmem>>, vector<16xf32>,
      tpu.vector_store %arg8[%swap3A_800, %swap3A_801], %select_n3A_797 {strides = array<i32>} : memref<256x128xf32, #tpu.memory_space<vmem>>, vector<16xf32>,
      %add3A_803 = arith.constant 7 : i32
      %add3A_804 = arith.addi %and3A_55, %add3A_803 : i32
      %get3A_805 = arith.index_cast %add3A_804 : i32 to index
      %get3A_806 = arith.constant 96 : index
      %get3A_807 = tpu.vector_load %arg6[%get3A_805, %get3A_806] {strides = array<i32>} : memref<512x128xf32, #tpu.memory_space<vmem>>, vector<16xf32>,
      %select_n3A_808 = arith.select %gt3A_736, %get3A_807, %broadcast_in_dim3A_3 : vector<16xf32>
      %add3A_809 = arith.constant 7 : i32
      %add3A_810 = arith.addi %mul3A_106, %add3A_809 : i32
      %swap3A_811 = arith.index_cast %add3A_810 : i32 to index
      %swap3A_812 = arith.constant 96 : index
      %swap3A_813 = tpu.vector_load %arg8[%swap3A_811, %swap3A_812] {strides = array<i32>} : memref<256x128xf32, #tpu.memory_space<vmem>>, vector<16xf32>,
      tpu.vector_store %arg8[%swap3A_811, %swap3A_812], %select_n3A_808 {strides = array<i32>} : memref<256x128xf32, #tpu.memory_space<vmem>>, vector<16xf32>,
      %add3A_814 = arith.constant 7 : i32
      %add3A_815 = arith.addi %and3A_55, %add3A_814 : i32
      %get3A_816 = arith.index_cast %add3A_815 : i32 to index
      %get3A_817 = arith.constant 112 : index
      %get3A_818 = tpu.vector_load %arg6[%get3A_816, %get3A_817] {strides = array<i32>} : memref<512x128xf32, #tpu.memory_space<vmem>>, vector<16xf32>,
      %select_n3A_819 = arith.select %gt3A_736, %get3A_818, %broadcast_in_dim3A_3 : vector<16xf32>
      %add3A_820 = arith.constant 7 : i32
      %add3A_821 = arith.addi %mul3A_106, %add3A_820 : i32
      %swap3A_822 = arith.index_cast %add3A_821 : i32 to index
      %swap3A_823 = arith.constant 112 : index
      %swap3A_824 = tpu.vector_load %arg8[%swap3A_822, %swap3A_823] {strides = array<i32>} : memref<256x128xf32, #tpu.memory_space<vmem>>, vector<16xf32>,
      tpu.vector_store %arg8[%swap3A_822, %swap3A_823], %select_n3A_819 {strides = array<i32>} : memref<256x128xf32, #tpu.memory_space<vmem>>, vector<16xf32>,
      %add3A_825 = arith.addi %add3A_54, %and3A_55 : i32
      %multiple_of3A = tpu.assume_multiple %add3A_825, 8 : i32
      %dma_start3A = arith.constant 0 : i32
      %dma_start3A_826 = tpu.memref_slice %arg8[%mul3A_106, %dma_start3A] : memref<256x128xf32, #tpu.memory_space<vmem>> -> memref<8x128xf32, #tpu.memory_space<vmem>>
      %dma_start3A_827 = arith.constant 0 : i32
      %dma_start3A_828 = tpu.memref_slice %arg4[%multiple_of3A, %dma_start3A_827] : memref<524288x128xf32, #tpu.memory_space<hbm>> -> memref<8x128xf32, #tpu.memory_space<hbm>>
      %dma_start3A_829 = arith.constant 0 : i32
      %dma_start3A_830 = tpu.memref_slice %arg4[%multiple_of3A, %dma_start3A_829] : memref<524288x128xf32, #tpu.memory_space<hbm>> -> memref<8x128xf32, #tpu.memory_space<hbm>>
      %dma_start3A_831 = arith.constant 0 : i32
      %dma_start3A_832 = tpu.memref_slice %arg8[%mul3A_106, %dma_start3A_831] : memref<256x128xf32, #tpu.memory_space<vmem>> -> memref<8x128xf32, #tpu.memory_space<vmem>>
      tpu.enqueue_dma source(%dma_start3A_832 : memref<8x128xf32, #tpu.memory_space<vmem>>) target(%dma_start3A_830 : memref<8x128xf32, #tpu.memory_space<hbm>>) target_semaphore(%arg9 : memref<!tpu.dma_semaphore, #tpu.memory_space<semaphore_mem>>)
      %add3A_833 = arith.constant 8 : i32
      %add3A_834 = arith.addi %add3A_104, %add3A_833 : i32
      %sub3A = arith.constant 512 : i32
      %sub3A_835 = arith.subi %sub3A, %and3A_55 : i32
      %sub3A_836 = arith.constant 8 : i32
      %sub3A_837 = arith.subi %sub3A_835, %sub3A_836 : i32
      %ge3A = arith.constant 128 : i32
      %ge3A_838 = arith.cmpi sge, %sub3A_837, %ge3A : i32
      %convert_element_type3A_839 = arith.extui %ge3A_838 : i1 to i32
      %cond3A_840 = arith.constant 0 : i32
      %cond3A_841 = arith.cmpi ne, %convert_element_type3A_839, %cond3A_840 : i32
      scf.if %cond3A_841 {
        %add3A_899 = arith.addi %add3A_54, %add3A_834 : i32
        %multiple_of3A_900 = tpu.assume_multiple %add3A_899, 8 : i32
        %dma_start3A_901 = arith.constant 0 : i32
        %dma_start3A_902 = tpu.memref_slice %arg4[%multiple_of3A_900, %dma_start3A_901] : memref<524288x128xf32, #tpu.memory_space<hbm>> -> memref<128x128xf32, #tpu.memory_space<hbm>>
        %dma_start3A_903 = arith.constant 0 : i32
        %dma_start3A_904 = tpu.memref_slice %arg4[%multiple_of3A_900, %dma_start3A_903] : memref<524288x128xf32, #tpu.memory_space<hbm>> -> memref<128x128xf32, #tpu.memory_space<hbm>>
        tpu.enqueue_dma source(%arg7 : memref<128x128xf32, #tpu.memory_space<vmem>>) target(%dma_start3A_904 : memref<128x128xf32, #tpu.memory_space<hbm>>) target_semaphore(%arg9 : memref<!tpu.dma_semaphore, #tpu.memory_space<semaphore_mem>>)
      } else {
      }
      %jit3A_842 = arith.constant 128 : i32
      %jit3A_843 = arith.constant 0 : i32
      %select_n3A_844 = arith.select %ge3A_838, %jit3A_842, %jit3A_843 : i32
      %add3A_845 = arith.addi %add3A_834, %select_n3A_844 : i32
      %sub3A_846 = arith.subi %sub3A_837, %select_n3A_844 : i32
      %ge3A_847 = arith.constant 128 : i32
      %ge3A_848 = arith.cmpi sge, %sub3A_846, %ge3A_847 : i32
      %convert_element_type3A_849 = arith.extui %ge3A_848 : i1 to i32
      %cond3A_850 = arith.constant 0 : i32
      %cond3A_851 = arith.cmpi ne, %convert_element_type3A_849, %cond3A_850 : i32
      scf.if %cond3A_851 {
        %add3A_899 = arith.addi %add3A_54, %add3A_845 : i32
        %multiple_of3A_900 = tpu.assume_multiple %add3A_899, 8 : i32
        %dma_start3A_901 = arith.constant 0 : i32
        %dma_start3A_902 = tpu.memref_slice %arg4[%multiple_of3A_900, %dma_start3A_901] : memref<524288x128xf32, #tpu.memory_space<hbm>> -> memref<128x128xf32, #tpu.memory_space<hbm>>
        %dma_start3A_903 = arith.constant 0 : i32
        %dma_start3A_904 = tpu.memref_slice %arg4[%multiple_of3A_900, %dma_start3A_903] : memref<524288x128xf32, #tpu.memory_space<hbm>> -> memref<128x128xf32, #tpu.memory_space<hbm>>
        tpu.enqueue_dma source(%arg7 : memref<128x128xf32, #tpu.memory_space<vmem>>) target(%dma_start3A_904 : memref<128x128xf32, #tpu.memory_space<hbm>>) target_semaphore(%arg9 : memref<!tpu.dma_semaphore, #tpu.memory_space<semaphore_mem>>)
      } else {
      }
      %jit3A_852 = arith.constant 128 : i32
      %jit3A_853 = arith.constant 0 : i32
      %select_n3A_854 = arith.select %ge3A_848, %jit3A_852, %jit3A_853 : i32
      %add3A_855 = arith.addi %add3A_845, %select_n3A_854 : i32
      %sub3A_856 = arith.subi %sub3A_846, %select_n3A_854 : i32
      %ge3A_857 = arith.constant 128 : i32
      %ge3A_858 = arith.cmpi sge, %sub3A_856, %ge3A_857 : i32
      %convert_element_type3A_859 = arith.extui %ge3A_858 : i1 to i32
      %cond3A_860 = arith.constant 0 : i32
      %cond3A_861 = arith.cmpi ne, %convert_element_type3A_859, %cond3A_860 : i32
      scf.if %cond3A_861 {
        %add3A_899 = arith.addi %add3A_54, %add3A_855 : i32
        %multiple_of3A_900 = tpu.assume_multiple %add3A_899, 8 : i32
        %dma_start3A_901 = arith.constant 0 : i32
        %dma_start3A_902 = tpu.memref_slice %arg4[%multiple_of3A_900, %dma_start3A_901] : memref<524288x128xf32, #tpu.memory_space<hbm>> -> memref<128x128xf32, #tpu.memory_space<hbm>>
        %dma_start3A_903 = arith.constant 0 : i32
        %dma_start3A_904 = tpu.memref_slice %arg4[%multiple_of3A_900, %dma_start3A_903] : memref<524288x128xf32, #tpu.memory_space<hbm>> -> memref<128x128xf32, #tpu.memory_space<hbm>>
        tpu.enqueue_dma source(%arg7 : memref<128x128xf32, #tpu.memory_space<vmem>>) target(%dma_start3A_904 : memref<128x128xf32, #tpu.memory_space<hbm>>) target_semaphore(%arg9 : memref<!tpu.dma_semaphore, #tpu.memory_space<semaphore_mem>>)
      } else {
      }
      %jit3A_862 = arith.constant 128 : i32
      %jit3A_863 = arith.constant 0 : i32
      %select_n3A_864 = arith.select %ge3A_858, %jit3A_862, %jit3A_863 : i32
      %add3A_865 = arith.addi %add3A_855, %select_n3A_864 : i32
      %sub3A_866 = arith.subi %sub3A_856, %select_n3A_864 : i32
      %and3A_867 = arith.constant 64 : i32
      %and3A_868 = arith.andi %sub3A_866, %and3A_867 : i32
      %ne3A_869 = arith.constant 0 : i32
      %ne3A_870 = arith.cmpi ne, %and3A_868, %ne3A_869 : i32
      %convert_element_type3A_871 = arith.extui %ne3A_870 : i1 to i32
      %cond3A_872 = arith.constant 0 : i32
      %cond3A_873 = arith.cmpi ne, %convert_element_type3A_871, %cond3A_872 : i32
      scf.if %cond3A_873 {
        %add3A_899 = arith.addi %add3A_54, %add3A_865 : i32
        %multiple_of3A_900 = tpu.assume_multiple %add3A_899, 8 : i32
        %dma_start3A_901 = arith.constant 0 : i32
        %dma_start3A_902 = arith.constant 0 : i32
        %dma_start3A_903 = tpu.memref_slice %arg7[%dma_start3A_901, %dma_start3A_902] : memref<128x128xf32, #tpu.memory_space<vmem>> -> memref<64x128xf32, #tpu.memory_space<vmem>>
        %dma_start3A_904 = arith.constant 0 : i32
        %dma_start3A_905 = tpu.memref_slice %arg4[%multiple_of3A_900, %dma_start3A_904] : memref<524288x128xf32, #tpu.memory_space<hbm>> -> memref<64x128xf32, #tpu.memory_space<hbm>>
        %dma_start3A_906 = arith.constant 0 : i32
        %dma_start3A_907 = tpu.memref_slice %arg4[%multiple_of3A_900, %dma_start3A_906] : memref<524288x128xf32, #tpu.memory_space<hbm>> -> memref<64x128xf32, #tpu.memory_space<hbm>>
        %dma_start3A_908 = arith.constant 0 : i32
        %dma_start3A_909 = arith.constant 0 : i32
        %dma_start3A_910 = tpu.memref_slice %arg7[%dma_start3A_908, %dma_start3A_909] : memref<128x128xf32, #tpu.memory_space<vmem>> -> memref<64x128xf32, #tpu.memory_space<vmem>>
        tpu.enqueue_dma source(%dma_start3A_910 : memref<64x128xf32, #tpu.memory_space<vmem>>) target(%dma_start3A_907 : memref<64x128xf32, #tpu.memory_space<hbm>>) target_semaphore(%arg9 : memref<!tpu.dma_semaphore, #tpu.memory_space<semaphore_mem>>)
      } else {
      }
      %add3A_874 = arith.addi %add3A_865, %and3A_868 : i32
      %and3A_875 = arith.constant 32 : i32
      %and3A_876 = arith.andi %sub3A_866, %and3A_875 : i32
      %ne3A_877 = arith.constant 0 : i32
      %ne3A_878 = arith.cmpi ne, %and3A_876, %ne3A_877 : i32
      %convert_element_type3A_879 = arith.extui %ne3A_878 : i1 to i32
      %cond3A_880 = arith.constant 0 : i32
      %cond3A_881 = arith.cmpi ne, %convert_element_type3A_879, %cond3A_880 : i32
      scf.if %cond3A_881 {
        %add3A_899 = arith.addi %add3A_54, %add3A_874 : i32
        %multiple_of3A_900 = tpu.assume_multiple %add3A_899, 8 : i32
        %dma_start3A_901 = arith.constant 0 : i32
        %dma_start3A_902 = arith.constant 0 : i32
        %dma_start3A_903 = tpu.memref_slice %arg7[%dma_start3A_901, %dma_start3A_902] : memref<128x128xf32, #tpu.memory_space<vmem>> -> memref<32x128xf32, #tpu.memory_space<vmem>>
        %dma_start3A_904 = arith.constant 0 : i32
        %dma_start3A_905 = tpu.memref_slice %arg4[%multiple_of3A_900, %dma_start3A_904] : memref<524288x128xf32, #tpu.memory_space<hbm>> -> memref<32x128xf32, #tpu.memory_space<hbm>>
        %dma_start3A_906 = arith.constant 0 : i32
        %dma_start3A_907 = tpu.memref_slice %arg4[%multiple_of3A_900, %dma_start3A_906] : memref<524288x128xf32, #tpu.memory_space<hbm>> -> memref<32x128xf32, #tpu.memory_space<hbm>>
        %dma_start3A_908 = arith.constant 0 : i32
        %dma_start3A_909 = arith.constant 0 : i32
        %dma_start3A_910 = tpu.memref_slice %arg7[%dma_start3A_908, %dma_start3A_909] : memref<128x128xf32, #tpu.memory_space<vmem>> -> memref<32x128xf32, #tpu.memory_space<vmem>>
        tpu.enqueue_dma source(%dma_start3A_910 : memref<32x128xf32, #tpu.memory_space<vmem>>) target(%dma_start3A_907 : memref<32x128xf32, #tpu.memory_space<hbm>>) target_semaphore(%arg9 : memref<!tpu.dma_semaphore, #tpu.memory_space<semaphore_mem>>)
      } else {
      }
      %add3A_882 = arith.addi %add3A_874, %and3A_876 : i32
      %and3A_883 = arith.constant 16 : i32
      %and3A_884 = arith.andi %sub3A_866, %and3A_883 : i32
      %ne3A_885 = arith.constant 0 : i32
      %ne3A_886 = arith.cmpi ne, %and3A_884, %ne3A_885 : i32
      %convert_element_type3A_887 = arith.extui %ne3A_886 : i1 to i32
      %cond3A_888 = arith.constant 0 : i32
      %cond3A_889 = arith.cmpi ne, %convert_element_type3A_887, %cond3A_888 : i32
      scf.if %cond3A_889 {
        %add3A_899 = arith.addi %add3A_54, %add3A_882 : i32
        %multiple_of3A_900 = tpu.assume_multiple %add3A_899, 8 : i32
        %dma_start3A_901 = arith.constant 0 : i32
        %dma_start3A_902 = arith.constant 0 : i32
        %dma_start3A_903 = tpu.memref_slice %arg7[%dma_start3A_901, %dma_start3A_902] : memref<128x128xf32, #tpu.memory_space<vmem>> -> memref<16x128xf32, #tpu.memory_space<vmem>>
        %dma_start3A_904 = arith.constant 0 : i32
        %dma_start3A_905 = tpu.memref_slice %arg4[%multiple_of3A_900, %dma_start3A_904] : memref<524288x128xf32, #tpu.memory_space<hbm>> -> memref<16x128xf32, #tpu.memory_space<hbm>>
        %dma_start3A_906 = arith.constant 0 : i32
        %dma_start3A_907 = tpu.memref_slice %arg4[%multiple_of3A_900, %dma_start3A_906] : memref<524288x128xf32, #tpu.memory_space<hbm>> -> memref<16x128xf32, #tpu.memory_space<hbm>>
        %dma_start3A_908 = arith.constant 0 : i32
        %dma_start3A_909 = arith.constant 0 : i32
        %dma_start3A_910 = tpu.memref_slice %arg7[%dma_start3A_908, %dma_start3A_909] : memref<128x128xf32, #tpu.memory_space<vmem>> -> memref<16x128xf32, #tpu.memory_space<vmem>>
        tpu.enqueue_dma source(%dma_start3A_910 : memref<16x128xf32, #tpu.memory_space<vmem>>) target(%dma_start3A_907 : memref<16x128xf32, #tpu.memory_space<hbm>>) target_semaphore(%arg9 : memref<!tpu.dma_semaphore, #tpu.memory_space<semaphore_mem>>)
      } else {
      }
      %add3A_890 = arith.addi %add3A_882, %and3A_884 : i32
      %and3A_891 = arith.constant 8 : i32
      %and3A_892 = arith.andi %sub3A_866, %and3A_891 : i32
      %ne3A_893 = arith.constant 0 : i32
      %ne3A_894 = arith.cmpi ne, %and3A_892, %ne3A_893 : i32
      %convert_element_type3A_895 = arith.extui %ne3A_894 : i1 to i32
      %cond3A_896 = arith.constant 0 : i32
      %cond3A_897 = arith.cmpi ne, %convert_element_type3A_895, %cond3A_896 : i32
      scf.if %cond3A_897 {
        %add3A_899 = arith.addi %add3A_54, %add3A_890 : i32
        %multiple_of3A_900 = tpu.assume_multiple %add3A_899, 8 : i32
        %dma_start3A_901 = arith.constant 0 : i32
        %dma_start3A_902 = arith.constant 0 : i32
        %dma_start3A_903 = tpu.memref_slice %arg7[%dma_start3A_901, %dma_start3A_902] : memref<128x128xf32, #tpu.memory_space<vmem>> -> memref<8x128xf32, #tpu.memory_space<vmem>>
        %dma_start3A_904 = arith.constant 0 : i32
        %dma_start3A_905 = tpu.memref_slice %arg4[%multiple_of3A_900, %dma_start3A_904] : memref<524288x128xf32, #tpu.memory_space<hbm>> -> memref<8x128xf32, #tpu.memory_space<hbm>>
        %dma_start3A_906 = arith.constant 0 : i32
        %dma_start3A_907 = tpu.memref_slice %arg4[%multiple_of3A_900, %dma_start3A_906] : memref<524288x128xf32, #tpu.memory_space<hbm>> -> memref<8x128xf32, #tpu.memory_space<hbm>>
        %dma_start3A_908 = arith.constant 0 : i32
        %dma_start3A_909 = arith.constant 0 : i32
        %dma_start3A_910 = tpu.memref_slice %arg7[%dma_start3A_908, %dma_start3A_909] : memref<128x128xf32, #tpu.memory_space<vmem>> -> memref<8x128xf32, #tpu.memory_space<vmem>>
        tpu.enqueue_dma source(%dma_start3A_910 : memref<8x128xf32, #tpu.memory_space<vmem>>) target(%dma_start3A_907 : memref<8x128xf32, #tpu.memory_space<hbm>>) target_semaphore(%arg9 : memref<!tpu.dma_semaphore, #tpu.memory_space<semaphore_mem>>)
      } else {
      }
      %add3A_898 = arith.addi %add3A_890, %and3A_892 : i32
    }
    %scan3A_19 = arith.constant 32 : i32
    %scan3A_20 = arith.constant 0 : i32
    %scan3A_21 = arith.constant 0 : i32
    %scan3A_22 = arith.constant 32 : i32
    %scan3A_23 = arith.addi %scan3A_21, %scan3A_22 : i32
    %scan3A_24 = arith.constant 1 : i32
    scf.for %scan3A_26 = %scan3A_21 to %scan3A_23 step %scan3A_24  : i32 {
      tpu.wait_dma2 semaphore(%arg9 : memref<!tpu.dma_semaphore, #tpu.memory_space<semaphore_mem>>) src(%arg2 : memref<512x128xf32, #tpu.memory_space<hbm>>) dst(%arg6 : memref<512x128xf32, #tpu.memory_space<vmem>>)
    }
    %scan3A_25 = arith.constant 32 : i32
    return
  }
}

</mosaic_0001>

<sc_bundles>
// kernel: kernel.3.cloned.1.call-start
scs
__scs_entry_jumppad:
0x0: {  	(pc) =	sbr.rel $0x88, $3  }
0x1: {  	(tag) =	ssettag $0x0;
	lr =	simm.s32 $0x1  }
0x2: {  	[smem:$0x3F9F] =	sst lr;
	_ =	strace $0xD0000000  }
0x3: {  	_ = 	snop  }
0x4: {  	_ = 	snop  }
0x5: {  	_ = 	snop  }
0x6: {  	_ = 	snop  }
0x7: {  	_ = 	snop  }
__scs_overlays_trampoline_lowered:
0x8: {  	[smem:$0x3FAE] =	sst s0  }
0x9: {  	[smem:$0x3FAF] =	sst s1  }
0xa: {  	[smem:$0x3FB0] =	sst s2  }
0xb: {  	[smem:$0x3FB1] =	sst s3  }
0xc: {  	[smem:$0x3FB2] =	sst s4  }
0xd: {  	[smem:$0x3FB3] =	sst s5  }
0xe: {  	[smem:$0x3FB4] =	sst s6  }
0xf: {  	[smem:$0x3FB5] =	sst s7  }
0x10: {  	[smem:$0x3FB6] =	sst s8  }
0x11: {  	[smem:$0x3FB7] =	sst s9;
	s0 =	simm.s32 @!p0 $0x0  }
0x12: {  	s1 =	sld [smem:$0x3F9D];
	s0 =	simm.s32 @p0 $0x1  }
0x13: {  	[smem:$0x3FB8] =	sst s0;
	s0 =	simm.s32 @!p1 $0x0  }
0x14: {  	s2 =	sld [smem:$0x3F9C];
	s0 =	simm.s32 @p1 $0x1  }
0x15: {  	[smem:$0x3FB9] =	sst s0;
	s0 =	simm.s32 @!p2 $0x0  }
0x16: {  	s3 =	sld [smem:$0x3FDB];
	s0 =	simm.s32 @p2 $0x1  }
0x17: {  	s4 =	simm.s32 $0x1BF5;
	[smem:$0x3FBB] =	sst s0  }
0x18: {  	s0 =	sld [smem:$0x3F9E];
	_ =	swait.ge [sflag:s4], $0x0  }
0x19: {  	s7 =	sld [smem:$0x3F9F]  }
0x1a: {  	s8 =	sadd.s32 $0xFFFFE003, lr  }
0x1b: {  	s9 =	sadd.s32 $0xFFFFFEF7, lr;
	s5 =	simm.s32 $0xFFFFFFFF;
	p2 =	slt.u32 s8, $0xFFFFF086  }
0x1c: {  	p1 =	slt.u32 s9, $0xF7A;
	s5 =	simm.s32 @!p2 $0x0  }
0x1d: {  	s5 =	simm.s32 @p1 $0x1;
	p0 =	seq.s32 s7, s2  }
0x1e: {  	s7 =	smul.u32 @!p0 $0xF7A, s2;
	p2 =	seq.s32 @!p0 s5, $0x0  }
0x1f: {  	s9 =	smul.u32 $0xF7A, s1;
	s8 =	simm.s32 @!p0 $0x1BF5;
	p2 =	por !p2, p0  }
0x20: {  	[sflag:s8] =	ssyncset.s32 @!p0 $0xFFFFF086;
	s6 =	sadd.s32 @!p0 s3, s7;
	s7 =	simm.s32 @!p0 $0x108  }
0x21: {  	s3 =	sadd.s32 s3, s9;
	s6 =	sadd.s32 @!p0 $0x88, s6;
	s7 =	simm.s32 @p2 $0x1082  }
0x22: {  	[simem:s7], [sflag:s8] =	dma.local @!p0 [hbm:s6], $0xF7A  }
0x23: {  	s9 =	sor.u32 $0xD0000000, s2;
	s6 =	simm.s32 $0x108;
	_ =	swait.ge @!p0 [sflag:s8], $0x0  }
0x24: {  	s3 =	sadd.s32 $0x88, s3;
	s6 =	simm.s32 @!p1 $0x1082;
	[sflag:s4] =	ssyncset.s32 $0xFFFFF086  }
0x25: {  	[simem:s6], [sflag:s4] =	dma.local [hbm:s3], $0xF7A  }
0x26: {  	[smem:$0x3F9F] =	sst s1;
	(tag) =	ssettag s2;
	_ =	strace s9  }
0x27: {  	s1 =	sld [smem:$0x3FAF]  }
0x28: {  	s2 =	sld [smem:$0x3FB0]  }
0x29: {  	s4 =	sld [smem:$0x3FB2]  }
0x2a: {  	p0 =	seq.s32 s5, $0x0;
	s5 =	sld [smem:$0x3FB3]  }
0x2b: {  	s6 =	sld [smem:$0x3FB4]  }
0x2c: {  	s7 =	sld [smem:$0x3FB5]  }
0x2d: {  	s3 =	simm.s32 $0x108;
	s8 =	sld [smem:$0x3FB6]  }
0x2e: {  	s3 =	simm.s32 @!p0 $0x1082;
	s9 =	sld [smem:$0x3FB7]  }
0x2f: {  	lr =	sadd.s32 s0, s3;
	s0 =	sld [smem:$0x3FAE]  }
0x30: {  	s3 =	sld [smem:$0x3FB1]  }
0x31: {  	[smem:$0x3FBA] =	sst s10  }
0x32: {  	s10 =	sld [smem:$0x3FB8];
	_ =	sdelay $0x3  }
0x33: {  	p0 =	seq.s32 s10, $0x1;
	s10 =	sld [smem:$0x3FBA];
	_ =	sdelay $0x3  }
0x34: {  	[smem:$0x3FBA] =	sst s10  }
0x35: {  	s10 =	sld [smem:$0x3FB9];
	_ =	sdelay $0x3  }
0x36: {  	p1 =	seq.s32 s10, $0x1;
	s10 =	sld [smem:$0x3FBA];
	_ =	sdelay $0x3  }
0x37: {  	[smem:$0x3FBA] =	sst s10  }
0x38: {  	s10 =	sld [smem:$0x3FBB]  }
0x39: {  	_ = 	snop;
	(pc) =	sbr.ind lr, $3  }
0x3a: {  	_ = 	snop  }
0x3b: {  	_ = 	snop  }
0x3c: {  	p2 =	seq.s32 s10, $0x1;
	s10 =	sld [smem:$0x3FBA]  }
0x3d: {  	_ =	shalt  }
0x3e: {  	_ =	shalt  }
0x3f: {  	_ =	shalt  }
0x40: {  	_ =	shalt  }
0x41: {  	_ =	shalt  }
0x42: {  	_ =	shalt  }
0x43: {  	_ =	shalt  }
0x44: {  	_ =	shalt  }
0x45: {  	_ =	shalt  }
0x46: {  	_ =	shalt  }
0x47: {  	_ =	shalt  }
0x48: {  	_ =	shalt  }
0x49: {  	_ =	shalt  }
0x4a: {  	_ =	shalt  }
0x4b: {  	_ =	shalt  }
0x4c: {  	_ =	shalt  }
0x4d: {  	_ =	shalt  }
0x4e: {  	_ =	shalt  }
0x4f: {  	_ =	shalt  }
0x50: {  	_ =	shalt  }
0x51: {  	_ =	shalt  }
0x52: {  	_ =	shalt  }
0x53: {  	_ =	shalt  }
0x54: {  	_ =	shalt  }
0x55: {  	_ =	shalt  }
0x56: {  	_ =	shalt  }
0x57: {  	_ =	shalt  }
0x58: {  	_ =	shalt  }
0x59: {  	_ =	shalt  }
0x5a: {  	_ =	shalt  }
0x5b: {  	_ =	shalt  }
0x5c: {  	_ =	shalt  }
0x5d: {  	_ =	shalt  }
0x5e: {  	_ =	shalt  }
0x5f: {  	_ =	shalt  }
0x60: {  	_ =	shalt  }
0x61: {  	_ =	shalt  }
0x62: {  	_ =	shalt  }
0x63: {  	_ =	shalt  }
0x64: {  	_ =	shalt  }
0x65: {  	_ =	shalt  }
0x66: {  	_ =	shalt  }
0x67: {  	_ =	shalt  }
0x68: {  	_ =	shalt  }
0x69: {  	_ =	shalt  }
0x6a: {  	_ =	shalt  }
0x6b: {  	_ =	shalt  }
0x6c: {  	_ =	shalt  }
0x6d: {  	_ =	shalt  }
0x6e: {  	_ =	shalt  }
0x6f: {  	_ =	shalt  }
0x70: {  	_ =	shalt  }
0x71: {  	_ =	shalt  }
0x72: {  	_ =	shalt  }
0x73: {  	_ =	shalt  }
0x74: {  	_ =	shalt  }
0x75: {  	_ =	shalt  }
0x76: {  	_ =	shalt  }
0x77: {  	_ =	shalt  }
0x78: {  	_ =	shalt  }
0x79: {  	_ =	shalt  }
0x7a: {  	_ =	shalt  }
0x7b: {  	_ =	shalt  }
0x7c: {  	_ =	shalt  }
0x7d: {  	_ =	shalt  }
0x7e: {  	_ =	shalt  }
0x7f: {  	_ =	shalt  }
0x80: {  	_ =	shalt  }
0x81: {  	_ =	shalt  }
0x82: {  	_ =	shalt  }
0x83: {  	_ =	shalt  }
0x84: {  	_ =	shalt  }
0x85: {  	_ =	shalt  }
0x86: {  	_ =	shalt  }
0x87: {  	_ =	shalt  }
.Lfunc_end0:
.L_simem_size_0:
called_computation_lowered:
.L_overlay_start_0:
0x88: {  	s2 =	sld [smem:$0x3FD9]  }
0x89: {  	s3 =	sld [smem:$0x3FFE];
	_ =	sdelay $0x1  }
0x8a: {  	s1 =	srdreg.scid  }
0x8b: {  	s0 =	sand.u32 $0x1, s1  }
0x8c: {  	s17 =	sshll.u32 s0, $0xA;
	s2 =	sadd.s32 s3, s2  }
0x8d: {  	s2 =	sadd.s32 s2, s17  }
0x8e: {  	[smem:$0x3FC6] =	sst s2  }
0x8f: {  	_ = 	snop  }
0x90: {  	s2 =	sld [smem:$0x3FC8]  }
0x91: {  	s18 =	sld [smem:$0x3FD0];
	(tm) =	ssettm $0x1  }
0x92: {  	s4 =	sld [smem:$0x3FFB];
	_ =	sdelay $0x3  }
0x93: {  	_ =	strace s4  }
0x94: {  	s4 =	sld [smem:$0x3FFC];
	_ =	sdelay $0x3  }
0x95: {  	_ =	strace s4  }
0x96: {  	s4 =	sld [smem:$0x3FFD];
	_ =	sdelay $0x3  }
0x97: {  	_ =	strace s4  }
0x98: {  	_ =	strace $0x8FFFFFFF  }
0x99: {  	s19 =	sld [smem:$0x3FDB];
	_ =	sdelay $0x1  }
0x9a: {  	s5 =	simm.s32 $_scs_section_size  }
0x9b: {  	s6 =	simm.s32 $_size__tile_overlayer_lowered;
	s7 =	simm.s32 $_tile_overlayer_lowered  }
0x9c: {  	s22 =	simm.s32 $0x1BFF;
	s21 =	sshll.u32 s7, $0x1;
	s4 =	sadd.s32 s5, s19  }
0x9d: {  	s8 =	simm.s32 $0x0;
	s20 =	sshll.u32 s6, $0x1;
	s6 =	sadd.s32 s21, s4  }
0x9e: {  	[timem:s8], [sflag:s22] =	dma.local [hbm:s6], s20  }
0x9f: {  	_ =	swait.ge [sflag:s22], s20  }
0xa0: {  	s5 =	ssub.s32 $0x0, s20;
	[sflag:s22] =	ssyncset.done $0x0  }
0xa1: {  	[sflag:s22] =	ssyncadd.s32 s5;
	_ =	sdelay $0x1  }
0xa2: {  	s23 =	simm.s32 $0x1B8B  }
0xa3: {  	_ =	swait.ge [sflag:s23], $0x1  }
0xa4: {  	[sflag:s23] =	ssyncset.done $0x0  }
0xa5: {  	s25 =	simm.s32 $0x1B8E;
	s24 =	sld [smem:$0x3FFE];
	[sflag:s23] =	ssyncadd.s32 $0xFFFFFFFF  }
0xa6: {  	s26 =	simm.s32 $execute0_lowered;
	[smem:$0x3FD2] =	sst s25  }
0xa7: {  	s6 =	sshll.u32 s26, $0x1;
	_ =	strace $0x80000046;
	[dreg:$0x1] =	wrdreg $0xFFFFFFFF  }
0xa8: {  	s28 =	simm.s32 $_size_execute0_lowered;
	s4 =	sadd.s32 s4, s6;
	[dreg:$0x0] =	wrdreg $0x0  }
0xa9: {  	s6 =	sshll.u32 s28, $0x1;
	[dreg:$0x2] =	wrdreg s4  }
0xaa: {  	[dreg:$0x3] =	wrdreg s6  }
0xab: {  	[dreg:$0x4] =	wrdreg $0xC0  }
0xac: {  	_ =	task [dreg:s8], $0x5FFFF  }
0xad: {  	[dreg:$0x1] =	wrdreg $0xFFFFFFFF  }
0xae: {  	[dreg:$0x0] =	wrdreg $0x60  }
0xaf: {  	[dreg:$0x2] =	wrdreg s24  }
0xb0: {  	[dreg:$0x3] =	wrdreg s2  }
0xb1: {  	[dreg:$0x4] =	wrdreg s18  }
0xb2: {  	[dreg:$0x5] =	wrdreg $0x9  }
0xb3: {  	_ =	task.clear_ibuf [dreg:s8], $0x6FFFF;
	_ =	strace $0x90000046  }
0xb4: {  	s29 =	simm.s32 $0x9;
	_ =	strace $0x80000048  }
0xb5: {  	_ =	swait.ge [sflag:s29], $0x1  }
0xb6: {  	[sflag:s29] =	ssyncadd.s32 $0xFFFFFFFF  }
0xb7: {  	_ =	strace $0x90000048  }
0xb8: {  	_ =	sfence  }
0xb9: {  	s30 =	sld [smem:$0x0];
	_ =	sdelay $0x2  }
0xba: {  	s31 =	sshll.u32 s1, $0xD;
	s1 =	sshrl.u32 s1, $0x2  }
0xbb: {  	s3 =	sand.u32 $0x4000, s31;
	s1 =	sadd.s32 s1, s30  }
0xbc: {  	s0 =	sor.u32 s3, s0;
	s1 =	sshll.u32 s1, $0x11  }
0xbd: {  	s0 =	sor.u32 s1, s0  }
0xbe: {  	s0 =	sadd.s32 $0x8F2B, s0  }
0xbf: {  	[sflag:s0] =	ssyncadd.remote.s32 $0x1  }
0xc0: {  	_ =	sfence.sel $0xFFFF  }
0xc1: {  	[dreg:$0x0] =	wrdreg $0xFFFFFFFF;
	(pc) =	sbr.abs _section_cstart, $3  }
0xc2: {  	[dreg:$0x1] =	wrdreg $0xFFFFFFFF  }
0xc3: {  	_ =	task.clear_ibuf [dreg:s8], $0x2FFFF;
	_ =	strace $0x9FFFFFFF  }
0xc4: {  	(tm) =	ssettm $0x7FFFFFFF  }
0xc5: {  	_ =	shalt  }
tec
execute0_lowered:
.L_overlay_start_1:
0x0: {  	(tag) =	ssettag $0x1  }
0x1: {  	s4 =	rddreg [dreg:$0x0]  }
0x2: {  	s5 =	rddreg [dreg:$0x1]  }
0x3: {  	s1 =	rddreg [dreg:$0x2]  }
0x4: {  	s0 =	rddreg [dreg:$0x3];
	s2 =	simm.s32 $0x0  }
0x5: {  	s3 =	srdreg.scid;
	s11 =	simm.s32 $0x2;
	s12 =	simm.s32 $0x1  }
0x6: {  	s13 =	simm.s32 $0x0;
	[smem:$0x7FF] =	sst s2;
	s8 =	sand.u32 $0x1, s3  }
0x7: {  	s3 =	stileid.u32;
	s4 =	sadd.s32 $0x400, s4;
	_ =	strace $0x80000047  }
0x8: {  	s6 =	ssub.s32 $0x2, s8;
	s9 =	sshll.u32 s3, $0x3;
	s10 =	sshll.u32 s8, $0x2  }
0x9: {  	s29 =	sshll.u32 s3, $0xF;
	s30 =	sshll.u32 s8, $0xE;
	s31 =	sshll.u32 s3, $0x13  }
0xa: {  	s8 =	sshll.u32 s8, $0x12;
	s7 =	sshrl.u32 s6, $0x1;
	s28 =	sor.u32 s10, s9  }
0xb: {  	s9 =	sadd.s32 s31, s1;
	s10 =	simm.s32 $0x80;
	s6 =	ssub.s32 s6, s7  }
0xc: {  	v0 =	vlaneseq.u32;
	s5 =	sadd.s32 s5, s28;
	s7 =	sor.u32 s30, s29;
	s8 =	sadd.s32 s8, s9  }
0xd: {  	v1 =	vimm.f32 $0.0e+00;
	v2 =	vor.u32 $0x10, v0;
	s9 =	simm.s32 $0x3;
	s6 =	smax.u32 s6, $0x1;
	s7 =	sor.u32 $0x8, s7  }
.LBB2_1:
0xe: {  	[tilespmem:s2], [sflag:$0x3] =	stream.linear.gather [hbm4b:s5+s2], $0x20, $0x38;
	[tilespmem:$0x1C080] =	vst v63  }
0xf: {  	_ =	swait.ge [sflag:s9], $0x20  }
0x10: {  	[sflag:s9] =	ssyncset.done $0x0  }
0x11: {  	s14 =	simm.s32 $0x0;
	s15 =	simm.s32 $0x200;
	[sflag:s9] =	ssyncadd.s32 $0xFFFFFFE0  }
0x12: {  	[tilespmem:s10], [sflag:$0x2] =	stream.linear.gather [hbm4b:s4+s2], $0x10000, $0x38;
	[tilespmem:$0x1C080] =	vst v63  }
.LBB2_2:
0x13: {  	p0 =	sne.s32 s15, $0xFE00;
	[tilespmem:s14+$0x100F0] =	vst v1  }
0x14: {  	[tilespmem:s14+$0x10080] =	vst v1  }
0x15: {  	[tilespmem:s14+$0x10090] =	vst v1  }
.Ltmp0:
0x16: {  	[tilespmem:s14+$0x100A0] =	vst v1;
	(pc) =	sbr.rel @p0 .LBB2_2-.Ltmp0, $4  }
0x17: {  	[tilespmem:s14+$0x100B0] =	vst v1  }
0x18: {  	[tilespmem:s14+$0x100C0] =	vst v1  }
0x19: {  	[tilespmem:s14+$0x100D0] =	vst v1  }
0x1a: {  	[tilespmem:s14+$0x100E0] =	vst v1;
	s14 =	sshra.s32 s15, $0x2;
	s15 =	sadd.s32 $0x200, s15  }
0x1b: {  	[tilespmem:s14+$0x100F0] =	vst v1  }
0x1c: {  	[tilespmem:s14+$0x10080] =	vst v1  }
0x1d: {  	[tilespmem:s14+$0x10090] =	vst v1  }
0x1e: {  	[tilespmem:s14+$0x100A0] =	vst v1  }
0x1f: {  	[tilespmem:s14+$0x100B0] =	vst v1  }
0x20: {  	[tilespmem:s14+$0x100C0] =	vst v1  }
0x21: {  	[tilespmem:s14+$0x100D0] =	vst v1  }
0x22: {  	[tilespmem:s14+$0x100E0] =	vst v1  }
0x23: {  	_ =	swait.ge [sflag:s11], $0x10000  }
0x24: {  	[sflag:s11] =	ssyncset.done $0x0  }
0x25: {  	[sflag:s11] =	ssyncadd.s32 $0xFFFF0000  }
0x26: {  	v3 =	vld [tilespmem:$0x0]  }
0x27: {  	v4 =	vld [tilespmem:$0x10];
	_ =	sdelay $0x3  }
0x28: {  	s14 =	simm.s32 $0x0  }
0x29: {  	s15 =	simm.s32 $0x14080;
	s16 =	smov.u32 s7;
	s17 =	simm.s32 $0x0;
	v3 =	vxor.u32 $0x80000000, v3;
	v4 =	vxor.u32 $0x80000000, v4  }
.LBB2_4:
0x2a: {  	v5 =	vmov s17  }
0x2b: {  	vm0 =	veq.s32 v5, v0  }
0x2c: {  	vm15 =	veq.s32 v5, v2;
	v6 =	vnsel vm0, $0x80000000, v3  }
0x2d: {  	v5 =	vnsel vm15, $0x80000000, v4;
	(xrf0) =	vmax.scan.msk.u32 $0xffff, v6  }
0x2e: {  	(xrf0) =	vmax.scan.msk.u32 $0xffff, v5;
	_ =	sdelay $0x4  }
0x2f: {  	v5, _, _ =	vpop (xrf0)  }
0x30: {  	(v2sf) =	vpush v5, $0xF;
	v5, _, _ =	vpop (xrf0)  }
0x31: {  	(v2sf) =	vpush v5, $0xF;
	_ =	sdelay $0xd  }
0x32: {  	s18 =	spop (v2sf)  }
0x33: {  	s19 =	spop (v2sf)  }
0x34: {  	s20 =	sxor.u32 $0x80000000, s18;
	s18 =	sxor.u32 $0x80000000, s19  }
0x35: {  	p0 =	sgt.s32 s20, s18  }
0x36: {  	s18 =	smov.u32 @p0 s20  }
0x37: {  	s19 =	sand.u32 $0x100, s18  }
0x38: {  	s31 =	sand.u32 $0x80, s18;
	p0 =	seq.s32 s19, $0x0  }
0x39: {  	s20 =	sadd.s32 @!p0 s14, s8;
	s21 =	simm.s32 @!p0 $0x0;
	s22 =	simm.s32 @!p0 $0x80  }
0x3a: {  	[hbm4b:s20+s21] =	stream.linear.scatter @!p0 [tilespmem:s22], [sflag:$0x1], $0x8000, $0x38;
	[tilespmem:$0x1C080] =	vst v63  }
0x3b: {  	p0 =	seq.s32 s31, $0x0  }
0x3c: {  	s20 =	sshll.u32 @!p0 s18, $0x4  }
0x3d: {  	s19 =	sshll.u32 @!p0 s19, $0x7;
	s21 =	sadd.s32 @!p0 s14, s8;
	s20 =	sand.u32 @!p0 $0x1000, s20  }
0x3e: {  	s19 =	sadd.s32 @!p0 $0x80, s19;
	s20 =	sadd.s32 @!p0 s20, s21;
	s21 =	simm.s32 @!p0 $0x0  }
0x3f: {  	[hbm4b:s20+s21] =	stream.linear.scatter @!p0 [tilespmem:s19], [sflag:$0x1], $0x4000, $0x38;
	[tilespmem:$0x1C080] =	vst v63  }
0x40: {  	s21 =	sand.u32 $0x40, s18  }
0x41: {  	p0 =	seq.s32 s21, $0x0  }
0x42: {  	s22 =	sand.u32 $0x20, s18;
	s19 =	sand.u32 @!p0 $0x180, s18;
	s20 =	sshll.u32 @!p0 s18, $0x4  }
0x43: {  	s21 =	sadd.s32 @!p0 s14, s8;
	s19 =	sshll.u32 @!p0 s19, $0x7;
	s20 =	sand.u32 @!p0 $0x1800, s20  }
0x44: {  	s19 =	sor.u32 @!p0 $0x80, s19;
	s20 =	sadd.s32 @!p0 s20, s21;
	s21 =	simm.s32 @!p0 $0x0  }
0x45: {  	[hbm4b:s20+s21] =	stream.linear.scatter @!p0 [tilespmem:s19], [sflag:$0x1], $0x2000, $0x38;
	[tilespmem:$0x1C080] =	vst v63  }
0x46: {  	p0 =	seq.s32 s22, $0x0  }
0x47: {  	s23 =	sand.u32 $0x10, s18;
	s19 =	sand.u32 @!p0 $0x1C0, s18;
	s20 =	sshll.u32 @!p0 s18, $0x4  }
0x48: {  	s21 =	sadd.s32 @!p0 s14, s8;
	s19 =	sshll.u32 @!p0 s19, $0x7;
	s20 =	sand.u32 @!p0 $0x1C00, s20  }
0x49: {  	s19 =	sor.u32 @!p0 $0x80, s19;
	s20 =	sadd.s32 @!p0 s20, s21;
	s21 =	simm.s32 @!p0 $0x0  }
0x4a: {  	[hbm4b:s20+s21] =	stream.linear.scatter @!p0 [tilespmem:s19], [sflag:$0x1], $0x1000, $0x38;
	[tilespmem:$0x1C080] =	vst v63  }
0x4b: {  	p0 =	seq.s32 s23, $0x0  }
0x4c: {  	s24 =	sand.u32 $0x8, s18;
	s19 =	sand.u32 @!p0 $0x1E0, s18;
	s20 =	sshll.u32 @!p0 s18, $0x4  }
0x4d: {  	s21 =	sadd.s32 @!p0 s14, s8;
	s19 =	sshll.u32 @!p0 s19, $0x7;
	s20 =	sand.u32 @!p0 $0x1E00, s20  }
0x4e: {  	s19 =	sor.u32 @!p0 $0x80, s19;
	s20 =	sadd.s32 @!p0 s20, s21;
	s21 =	simm.s32 @!p0 $0x0  }
0x4f: {  	[hbm4b:s20+s21] =	stream.linear.scatter @!p0 [tilespmem:s19], [sflag:$0x1], $0x800, $0x38;
	[tilespmem:$0x1C080] =	vst v63  }
0x50: {  	s25 =	sand.u32 $0xFFFFFFF8, s18;
	p0 =	seq.s32 s24, $0x0  }
0x51: {  	s26 =	sshll.u32 s25, $0x9;
	s20 =	sand.u32 @!p0 $0x1F0, s18;
	s21 =	sshll.u32 @!p0 s18, $0x4  }
0x52: {  	s22 =	sadd.s32 @!p0 s14, s8;
	s20 =	sshll.u32 @!p0 s20, $0x7;
	s21 =	sand.u32 @!p0 $0x1F00, s21  }
0x53: {  	s20 =	sor.u32 @!p0 $0x80, s20;
	s21 =	sadd.s32 @!p0 s21, s22;
	s22 =	simm.s32 @!p0 $0x0  }
0x54: {  	[hbm4b:s21+s22] =	stream.linear.scatter @!p0 [tilespmem:s20], [sflag:$0x1], $0x400, $0x38;
	[tilespmem:$0x1C080] =	vst v63  }
0x55: {  	s20 =	sshra.s32 s26, $0x2  }
0x56: {  	v5 =	vld [tilespmem:s20+$0x80];
	_ =	sdelay $0x2  }
0x57: {  	s28 =	sand.u32 $0x7, s18  }
0x58: {  	p6 =	seq.s32 s28, $0x0  }
0x59: {  	v5 =	vpsel p6, $0x0, v5  }
0x5a: {  	[tilespmem:s15+$0x0] =	vst v5  }
0x5b: {  	v5 =	vld [tilespmem:s20+$0x90];
	_ =	sdelay $0x4  }
0x5c: {  	v5 =	vpsel p6, $0x0, v5  }
0x5d: {  	[tilespmem:s15+$0x10] =	vst v5  }
0x5e: {  	v5 =	vld [tilespmem:s20+$0xA0];
	_ =	sdelay $0x4  }
0x5f: {  	v5 =	vpsel p6, $0x0, v5  }
0x60: {  	[tilespmem:s15+$0x20] =	vst v5  }
0x61: {  	v5 =	vld [tilespmem:s20+$0xB0];
	_ =	sdelay $0x4  }
0x62: {  	v5 =	vpsel p6, $0x0, v5  }
0x63: {  	[tilespmem:s15+$0x30] =	vst v5  }
0x64: {  	v5 =	vld [tilespmem:s20+$0xC0];
	_ =	sdelay $0x4  }
0x65: {  	v5 =	vpsel p6, $0x0, v5  }
0x66: {  	[tilespmem:s15+$0x40] =	vst v5  }
0x67: {  	v5 =	vld [tilespmem:s20+$0xD0];
	_ =	sdelay $0x4  }
0x68: {  	v5 =	vpsel p6, $0x0, v5  }
0x69: {  	[tilespmem:s15+$0x50] =	vst v5  }
0x6a: {  	v5 =	vld [tilespmem:s20+$0xE0];
	_ =	sdelay $0x4  }
0x6b: {  	v5 =	vpsel p6, $0x0, v5  }
0x6c: {  	[tilespmem:s15+$0x60] =	vst v5  }
0x6d: {  	v5 =	vld [tilespmem:s20+$0xF0];
	_ =	sdelay $0x4  }
0x6e: {  	v5 =	vpsel p6, $0x0, v5  }
0x6f: {  	[tilespmem:s15+$0x70] =	vst v5  }
0x70: {  	v5 =	vld [tilespmem:s20+$0x100];
	_ =	sdelay $0x3  }
0x71: {  	p1 =	sgt.u32 s28, $0x1  }
0x72: {  	v5 =	vpsel !p1, $0x0, v5  }
0x73: {  	[tilespmem:s15+$0x80] =	vst v5  }
0x74: {  	v5 =	vld [tilespmem:s20+$0x110];
	_ =	sdelay $0x4  }
0x75: {  	v5 =	vpsel !p1, $0x0, v5  }
0x76: {  	[tilespmem:s15+$0x90] =	vst v5  }
0x77: {  	v5 =	vld [tilespmem:s20+$0x120];
	_ =	sdelay $0x4  }
0x78: {  	v5 =	vpsel !p1, $0x0, v5  }
0x79: {  	[tilespmem:s15+$0xA0] =	vst v5  }
0x7a: {  	v5 =	vld [tilespmem:s20+$0x130];
	_ =	sdelay $0x4  }
0x7b: {  	v5 =	vpsel !p1, $0x0, v5  }
0x7c: {  	[tilespmem:s15+$0xB0] =	vst v5  }
0x7d: {  	v5 =	vld [tilespmem:s20+$0x140];
	_ =	sdelay $0x4  }
0x7e: {  	v5 =	vpsel !p1, $0x0, v5  }
0x7f: {  	[tilespmem:s15+$0xC0] =	vst v5  }
0x80: {  	v5 =	vld [tilespmem:s20+$0x150];
	_ =	sdelay $0x4  }
0x81: {  	v5 =	vpsel !p1, $0x0, v5  }
0x82: {  	[tilespmem:s15+$0xD0] =	vst v5  }
0x83: {  	v5 =	vld [tilespmem:s20+$0x160];
	_ =	sdelay $0x4  }
0x84: {  	v5 =	vpsel !p1, $0x0, v5  }
0x85: {  	[tilespmem:s15+$0xE0] =	vst v5  }
0x86: {  	v5 =	vld [tilespmem:s20+$0x170];
	_ =	sdelay $0x4  }
0x87: {  	v5 =	vpsel !p1, $0x0, v5  }
0x88: {  	[tilespmem:s15+$0xF0] =	vst v5  }
0x89: {  	v5 =	vld [tilespmem:s20+$0x180];
	_ =	sdelay $0x3  }
0x8a: {  	p2 =	sgt.u32 s28, $0x2  }
0x8b: {  	v5 =	vpsel !p2, $0x0, v5  }
0x8c: {  	[tilespmem:s15+$0x100] =	vst v5  }
0x8d: {  	v5 =	vld [tilespmem:s20+$0x190];
	_ =	sdelay $0x4  }
0x8e: {  	v5 =	vpsel !p2, $0x0, v5  }
0x8f: {  	[tilespmem:s15+$0x110] =	vst v5  }
0x90: {  	v5 =	vld [tilespmem:s20+$0x1A0];
	_ =	sdelay $0x4  }
0x91: {  	v5 =	vpsel !p2, $0x0, v5  }
0x92: {  	[tilespmem:s15+$0x120] =	vst v5  }
0x93: {  	v5 =	vld [tilespmem:s20+$0x1B0];
	_ =	sdelay $0x4  }
0x94: {  	v5 =	vpsel !p2, $0x0, v5  }
0x95: {  	[tilespmem:s15+$0x130] =	vst v5  }
0x96: {  	v5 =	vld [tilespmem:s20+$0x1C0];
	_ =	sdelay $0x4  }
0x97: {  	v5 =	vpsel !p2, $0x0, v5  }
0x98: {  	[tilespmem:s15+$0x140] =	vst v5  }
0x99: {  	v5 =	vld [tilespmem:s20+$0x1D0];
	_ =	sdelay $0x4  }
0x9a: {  	v5 =	vpsel !p2, $0x0, v5  }
0x9b: {  	[tilespmem:s15+$0x150] =	vst v5  }
0x9c: {  	v5 =	vld [tilespmem:s20+$0x1E0];
	_ =	sdelay $0x4  }
0x9d: {  	v5 =	vpsel !p2, $0x0, v5  }
0x9e: {  	[tilespmem:s15+$0x160] =	vst v5  }
0x9f: {  	v5 =	vld [tilespmem:s20+$0x1F0];
	_ =	sdelay $0x4  }
0xa0: {  	v5 =	vpsel !p2, $0x0, v5  }
0xa1: {  	[tilespmem:s15+$0x170] =	vst v5  }
0xa2: {  	v5 =	vld [tilespmem:s20+$0x200];
	_ =	sdelay $0x3  }
0xa3: {  	p3 =	sgt.u32 s28, $0x3  }
0xa4: {  	v5 =	vpsel !p3, $0x0, v5  }
0xa5: {  	[tilespmem:s15+$0x180] =	vst v5  }
0xa6: {  	v5 =	vld [tilespmem:s20+$0x210];
	_ =	sdelay $0x4  }
0xa7: {  	v5 =	vpsel !p3, $0x0, v5  }
0xa8: {  	[tilespmem:s15+$0x190] =	vst v5  }
0xa9: {  	v5 =	vld [tilespmem:s20+$0x220];
	_ =	sdelay $0x4  }
0xaa: {  	v5 =	vpsel !p3, $0x0, v5  }
0xab: {  	[tilespmem:s15+$0x1A0] =	vst v5  }
0xac: {  	v5 =	vld [tilespmem:s20+$0x230];
	_ =	sdelay $0x4  }
0xad: {  	v5 =	vpsel !p3, $0x0, v5  }
0xae: {  	[tilespmem:s15+$0x1B0] =	vst v5  }
0xaf: {  	v5 =	vld [tilespmem:s20+$0x240];
	_ =	sdelay $0x4  }
0xb0: {  	v5 =	vpsel !p3, $0x0, v5  }
0xb1: {  	[tilespmem:s15+$0x1C0] =	vst v5  }
0xb2: {  	v5 =	vld [tilespmem:s20+$0x250];
	_ =	sdelay $0x4  }
0xb3: {  	v5 =	vpsel !p3, $0x0, v5  }
0xb4: {  	[tilespmem:s15+$0x1D0] =	vst v5  }
0xb5: {  	v5 =	vld [tilespmem:s20+$0x260];
	_ =	sdelay $0x4  }
0xb6: {  	v5 =	vpsel !p3, $0x0, v5  }
0xb7: {  	[tilespmem:s15+$0x1E0] =	vst v5  }
0xb8: {  	v5 =	vld [tilespmem:s20+$0x270];
	_ =	sdelay $0x4  }
0xb9: {  	v5 =	vpsel !p3, $0x0, v5  }
0xba: {  	[tilespmem:s15+$0x1F0] =	vst v5  }
0xbb: {  	v5 =	vld [tilespmem:s20+$0x280];
	_ =	sdelay $0x3  }
0xbc: {  	p4 =	sgt.u32 s28, $0x4  }
0xbd: {  	v5 =	vpsel !p4, $0x0, v5  }
0xbe: {  	[tilespmem:s15+$0x200] =	vst v5  }
0xbf: {  	v5 =	vld [tilespmem:s20+$0x290];
	_ =	sdelay $0x4  }
0xc0: {  	v5 =	vpsel !p4, $0x0, v5  }
0xc1: {  	[tilespmem:s15+$0x210] =	vst v5  }
0xc2: {  	v5 =	vld [tilespmem:s20+$0x2A0];
	_ =	sdelay $0x4  }
0xc3: {  	v5 =	vpsel !p4, $0x0, v5  }
0xc4: {  	[tilespmem:s15+$0x220] =	vst v5  }
0xc5: {  	v5 =	vld [tilespmem:s20+$0x2B0];
	_ =	sdelay $0x4  }
0xc6: {  	v5 =	vpsel !p4, $0x0, v5  }
0xc7: {  	[tilespmem:s15+$0x230] =	vst v5  }
0xc8: {  	v5 =	vld [tilespmem:s20+$0x2C0];
	_ =	sdelay $0x4  }
0xc9: {  	v5 =	vpsel !p4, $0x0, v5  }
0xca: {  	[tilespmem:s15+$0x240] =	vst v5  }
0xcb: {  	v5 =	vld [tilespmem:s20+$0x2D0];
	_ =	sdelay $0x4  }
0xcc: {  	v5 =	vpsel !p4, $0x0, v5  }
0xcd: {  	[tilespmem:s15+$0x250] =	vst v5  }
0xce: {  	v5 =	vld [tilespmem:s20+$0x2E0];
	_ =	sdelay $0x4  }
0xcf: {  	v5 =	vpsel !p4, $0x0, v5  }
0xd0: {  	[tilespmem:s15+$0x260] =	vst v5  }
0xd1: {  	v5 =	vld [tilespmem:s20+$0x2F0];
	_ =	sdelay $0x4  }
0xd2: {  	v5 =	vpsel !p4, $0x0, v5  }
0xd3: {  	[tilespmem:s15+$0x270] =	vst v5  }
0xd4: {  	v5 =	vld [tilespmem:s20+$0x300];
	_ =	sdelay $0x3  }
0xd5: {  	p5 =	sgt.u32 s28, $0x5  }
0xd6: {  	v5 =	vpsel !p5, $0x0, v5  }
0xd7: {  	[tilespmem:s15+$0x280] =	vst v5  }
0xd8: {  	v5 =	vld [tilespmem:s20+$0x310];
	_ =	sdelay $0x4  }
0xd9: {  	v5 =	vpsel !p5, $0x0, v5  }
0xda: {  	[tilespmem:s15+$0x290] =	vst v5  }
0xdb: {  	v5 =	vld [tilespmem:s20+$0x320];
	_ =	sdelay $0x4  }
0xdc: {  	v5 =	vpsel !p5, $0x0, v5  }
0xdd: {  	[tilespmem:s15+$0x2A0] =	vst v5  }
0xde: {  	v5 =	vld [tilespmem:s20+$0x330];
	_ =	sdelay $0x4  }
0xdf: {  	v5 =	vpsel !p5, $0x0, v5  }
0xe0: {  	[tilespmem:s15+$0x2B0] =	vst v5  }
0xe1: {  	v5 =	vld [tilespmem:s20+$0x340];
	_ =	sdelay $0x4  }
0xe2: {  	v5 =	vpsel !p5, $0x0, v5  }
0xe3: {  	[tilespmem:s15+$0x2C0] =	vst v5  }
0xe4: {  	v5 =	vld [tilespmem:s20+$0x350];
	_ =	sdelay $0x4  }
0xe5: {  	v5 =	vpsel !p5, $0x0, v5  }
0xe6: {  	[tilespmem:s15+$0x2D0] =	vst v5  }
0xe7: {  	v5 =	vld [tilespmem:s20+$0x360];
	_ =	sdelay $0x4  }
0xe8: {  	v5 =	vpsel !p5, $0x0, v5  }
0xe9: {  	[tilespmem:s15+$0x2E0] =	vst v5  }
0xea: {  	v5 =	vld [tilespmem:s20+$0x370];
	_ =	sdelay $0x4  }
0xeb: {  	v5 =	vpsel !p5, $0x0, v5  }
0xec: {  	[tilespmem:s15+$0x2F0] =	vst v5  }
0xed: {  	v5 =	vld [tilespmem:s20+$0x380];
	_ =	sdelay $0x3  }
0xee: {  	p6 =	seq.s32 s28, $0x7  }
0xef: {  	v5 =	vpsel !p6, $0x0, v5  }
0xf0: {  	[tilespmem:s15+$0x300] =	vst v5  }
0xf1: {  	v5 =	vld [tilespmem:s20+$0x390];
	_ =	sdelay $0x4  }
0xf2: {  	v5 =	vpsel !p6, $0x0, v5  }
0xf3: {  	[tilespmem:s15+$0x310] =	vst v5  }
0xf4: {  	v5 =	vld [tilespmem:s20+$0x3A0];
	_ =	sdelay $0x4  }
0xf5: {  	v5 =	vpsel !p6, $0x0, v5  }
0xf6: {  	[tilespmem:s15+$0x320] =	vst v5  }
0xf7: {  	v5 =	vld [tilespmem:s20+$0x3B0];
	_ =	sdelay $0x4  }
0xf8: {  	v5 =	vpsel !p6, $0x0, v5  }
0xf9: {  	[tilespmem:s15+$0x330] =	vst v5  }
0xfa: {  	v5 =	vld [tilespmem:s20+$0x3C0];
	_ =	sdelay $0x4  }
0xfb: {  	v5 =	vpsel !p6, $0x0, v5  }
0xfc: {  	[tilespmem:s15+$0x340] =	vst v5  }
0xfd: {  	v5 =	vld [tilespmem:s20+$0x3D0];
	_ =	sdelay $0x4  }
0xfe: {  	v5 =	vpsel !p6, $0x0, v5  }
0xff: {  	[tilespmem:s15+$0x350] =	vst v5  }
0x100: {  	v5 =	vld [tilespmem:s20+$0x3E0];
	_ =	sdelay $0x4  }
0x101: {  	v5 =	vpsel !p6, $0x0, v5  }
0x102: {  	[tilespmem:s15+$0x360] =	vst v5  }
0x103: {  	v5 =	vld [tilespmem:s20+$0x3F0];
	[tilespmem:s15+$0x380] =	vst v1  }
0x104: {  	[tilespmem:s15+$0x390] =	vst v1  }
0x105: {  	[tilespmem:s15+$0x3A0] =	vst v1  }
0x106: {  	[tilespmem:s15+$0x3B0] =	vst v1  }
0x107: {  	[tilespmem:s15+$0x3C0] =	vst v1  }
0x108: {  	[tilespmem:s15+$0x3D0] =	vst v1  }
0x109: {  	s29 =	sshll.u32 s18, $0x4;
	[tilespmem:s15+$0x3E0] =	vst v1  }
0x10a: {  	s30 =	sadd.s32 s14, s8;
	s19 =	ssub.s32 $0x1F8, s25;
	s20 =	sand.u32 $0xFFFFFF80, s29;
	[tilespmem:s15+$0x3F0] =	vst v1;
	v5 =	vpsel !p6, $0x0, v5  }
0x10b: {  	p0 =	slt.s32 s19, $0x80;
	s20 =	sadd.s32 s20, s30;
	[tilespmem:s15+$0x370] =	vst v5  }
0x10c: {  	[hbm4b:s20+s2] =	stream.linear.scatter [tilespmem:s15], [sflag:$0x1], $0x400, $0x38;
	[tilespmem:$0x1C080] =	vst v63  }
0x10d: {  	s20 =	sshll.u32 @!p0 s18, $0x4  }
0x10e: {  	s21 =	sadd.s32 @!p0 s14, s8;
	s20 =	sand.u32 @!p0 $0x1F80, s20  }
0x10f: {  	s20 =	sadd.s32 @!p0 s20, s21  }
0x110: {  	s22 =	simm.s32 @!p0 $0x10080;
	s21 =	simm.s32 @!p0 $0x0;
	s20 =	sadd.s32 @!p0 $0x80, s20  }
0x111: {  	[hbm4b:s20+s21] =	stream.linear.scatter @!p0 [tilespmem:s22], [sflag:$0x1], $0x4000, $0x38;
	[tilespmem:$0x1C080] =	vst v63  }
0x112: {  	s20 =	simm.s32 @!p0 $0x80  }
0x113: {  	s20 =	simm.s32 @p0 $0x0  }
0x114: {  	s31 =	ssub.s32 s19, s20  }
0x115: {  	s18 =	sand.u32 $0x1F8, s18;
	p0 =	slt.s32 s31, $0x80  }
0x116: {  	s22 =	sadd.s32 @!p0 s18, s20  }
0x117: {  	s22 =	sadd.s32 @!p0 s22, s16  }
0x118: {  	s22 =	sshll.u32 @!p0 s22, $0x4  }
0x119: {  	s23 =	simm.s32 @!p0 $0x0;
	s24 =	simm.s32 @!p0 $0x10080;
	s22 =	sadd.s32 @!p0 s1, s22  }
0x11a: {  	[hbm4b:s22+s23] =	stream.linear.scatter @!p0 [tilespmem:s24], [sflag:$0x1], $0x4000, $0x38;
	[tilespmem:$0x1C080] =	vst v63  }
0x11b: {  	s22 =	simm.s32 @!p0 $0x80  }
0x11c: {  	s22 =	simm.s32 @p0 $0x0  }
0x11d: {  	s21 =	ssub.s32 s31, s22  }
0x11e: {  	p0 =	slt.s32 s21, $0x80  }
0x11f: {  	s21 =	sadd.s32 @!p0 s22, s20  }
0x120: {  	s21 =	sadd.s32 @!p0 s18, s21  }
0x121: {  	s21 =	sadd.s32 @!p0 s21, s16  }
0x122: {  	s21 =	sshll.u32 @!p0 s21, $0x4  }
0x123: {  	s23 =	simm.s32 @!p0 $0x0;
	s24 =	simm.s32 @!p0 $0x10080;
	s21 =	sadd.s32 @!p0 s1, s21  }
0x124: {  	[hbm4b:s21+s23] =	stream.linear.scatter @!p0 [tilespmem:s24], [sflag:$0x1], $0x4000, $0x38;
	[tilespmem:$0x1C080] =	vst v63  }
0x125: {  	s21 =	sand.u32 $0x40, s19  }
0x126: {  	s23 =	simm.s32 @!p0 $0x80;
	p1 =	seq.s32 s21, $0x0  }
0x127: {  	s23 =	simm.s32 @p0 $0x0;
	s24 =	sadd.s32 @!p1 s22, s20  }
0x128: {  	s24 =	sadd.s32 @!p1 s23, s24  }
0x129: {  	s24 =	sadd.s32 @!p1 s18, s24  }
0x12a: {  	s24 =	sadd.s32 @!p1 s24, s16  }
0x12b: {  	s24 =	sshll.u32 @!p1 s24, $0x4  }
0x12c: {  	s25 =	simm.s32 @!p1 $0x0;
	s26 =	simm.s32 @!p1 $0x10080;
	s24 =	sadd.s32 @!p1 s1, s24  }
0x12d: {  	[hbm4b:s24+s25] =	stream.linear.scatter @!p1 [tilespmem:s26], [sflag:$0x1], $0x2000, $0x38;
	[tilespmem:$0x1C080] =	vst v63  }
0x12e: {  	s24 =	sand.u32 $0x20, s19  }
0x12f: {  	p0 =	seq.s32 s24, $0x0  }
0x130: {  	s25 =	sadd.s32 @!p0 s22, s20  }
0x131: {  	s25 =	sadd.s32 @!p0 s23, s25  }
0x132: {  	s25 =	sadd.s32 @!p0 s21, s25  }
0x133: {  	s25 =	sadd.s32 @!p0 s18, s25  }
0x134: {  	s25 =	sadd.s32 @!p0 s25, s16  }
0x135: {  	s25 =	sshll.u32 @!p0 s25, $0x4  }
0x136: {  	s25 =	sand.u32 @!p0 $0xFFFFF80, s25  }
0x137: {  	s26 =	simm.s32 @!p0 $0x0;
	s28 =	simm.s32 @!p0 $0x10080;
	s25 =	sadd.s32 @!p0 s1, s25  }
0x138: {  	[hbm4b:s25+s26] =	stream.linear.scatter @!p0 [tilespmem:s28], [sflag:$0x1], $0x1000, $0x38;
	[tilespmem:$0x1C080] =	vst v63  }
0x139: {  	s25 =	sand.u32 $0x10, s19  }
0x13a: {  	p0 =	seq.s32 s25, $0x0  }
0x13b: {  	s26 =	sadd.s32 @!p0 s22, s20  }
0x13c: {  	s26 =	sadd.s32 @!p0 s23, s26  }
0x13d: {  	s26 =	sadd.s32 @!p0 s21, s26  }
0x13e: {  	s26 =	sadd.s32 @!p0 s24, s26  }
0x13f: {  	s26 =	sadd.s32 @!p0 s18, s26  }
0x140: {  	s26 =	sadd.s32 @!p0 s26, s16  }
0x141: {  	s26 =	sshll.u32 @!p0 s26, $0x4  }
0x142: {  	s19 =	sand.u32 $0x8, s19;
	s26 =	sand.u32 @!p0 $0xFFFFF80, s26  }
0x143: {  	s28 =	simm.s32 @!p0 $0x0;
	s29 =	simm.s32 @!p0 $0x10080;
	s26 =	sadd.s32 @!p0 s1, s26  }
0x144: {  	[hbm4b:s26+s28] =	stream.linear.scatter @!p0 [tilespmem:s29], [sflag:$0x1], $0x800, $0x38;
	[tilespmem:$0x1C080] =	vst v63  }
0x145: {  	p0 =	seq.s32 s19, $0x0  }
0x146: {  	s19 =	sadd.s32 @!p0 s22, s20  }
0x147: {  	s19 =	sadd.s32 @!p0 s23, s19  }
0x148: {  	s19 =	sadd.s32 @!p0 s21, s19  }
0x149: {  	s19 =	sadd.s32 @!p0 s24, s19  }
0x14a: {  	s19 =	sadd.s32 @!p0 s25, s19  }
0x14b: {  	s18 =	sadd.s32 @!p0 s18, s19  }
0x14c: {  	s18 =	sadd.s32 @!p0 s18, s16  }
0x14d: {  	s18 =	sshll.u32 @!p0 s18, $0x4  }
0x14e: {  	s14 =	sadd.s32 $0x2000, s14;
	s18 =	sand.u32 @!p0 $0xFFFFF80, s18  }
0x14f: {  	s20 =	simm.s32 @!p0 $0x10080;
	s19 =	simm.s32 @!p0 $0x0;
	s18 =	sadd.s32 @!p0 s1, s18  }
0x150: {  	[hbm4b:s18+s19] =	stream.linear.scatter @!p0 [tilespmem:s20], [sflag:$0x1], $0x400, $0x38;
	[tilespmem:$0x1C080] =	vst v63  }
0x151: {  	p0 =	sne.s32 s14, $0x40000  }
.Ltmp1:
0x152: {  	_ = 	snop;
	(pc) =	sbr.rel @p0 .LBB2_4-.Ltmp1, $2  }
0x153: {  	_ =	sdelay $0x2  }
0x154: {  	s17 =	sadd.s32 $0x1, s17;
	s15 =	sadd.s32 $0x400, s15;
	s16 =	sadd.s32 $0x200, s16  }
0x155: {  	_ =	swait.ge [sflag:s12], $0x10000  }
0x156: {  	[sflag:s12] =	ssyncset.done $0x0  }
0x157: {  	[sflag:s12] =	ssyncadd.s32 $0xFFFF0000  }
0x158: {  	_ =	swait.ge [sflag:s12], $0x10000  }
0x159: {  	[sflag:s12] =	ssyncset.done $0x0  }
0x15a: {  	[sflag:s12] =	ssyncadd.s32 $0xFFFF0000  }
0x15b: {  	_ =	swait.ge [sflag:s12], $0x10000  }
0x15c: {  	[sflag:s12] =	ssyncset.done $0x0  }
0x15d: {  	[sflag:s12] =	ssyncadd.s32 $0xFFFF0000  }
0x15e: {  	_ =	swait.ge [sflag:s12], $0x10000  }
0x15f: {  	[sflag:s12] =	ssyncset.done $0x0  }
0x160: {  	[sflag:s12] =	ssyncadd.s32 $0xFFFF0000  }
0x161: {  	_ =	swait.ge [sflag:s12], $0x10000  }
0x162: {  	[sflag:s12] =	ssyncset.done $0x0  }
0x163: {  	[sflag:s12] =	ssyncadd.s32 $0xFFFF0000  }
0x164: {  	_ =	swait.ge [sflag:s12], $0x10000  }
0x165: {  	[sflag:s12] =	ssyncset.done $0x0  }
0x166: {  	[sflag:s12] =	ssyncadd.s32 $0xFFFF0000  }
0x167: {  	_ =	swait.ge [sflag:s12], $0x10000  }
0x168: {  	[sflag:s12] =	ssyncset.done $0x0  }
0x169: {  	[sflag:s12] =	ssyncadd.s32 $0xFFFF0000  }
0x16a: {  	_ =	swait.ge [sflag:s12], $0x10000  }
0x16b: {  	[sflag:s12] =	ssyncset.done $0x0  }
0x16c: {  	[sflag:s12] =	ssyncadd.s32 $0xFFFF0000  }
0x16d: {  	_ =	swait.ge [sflag:s12], $0x10000  }
0x16e: {  	[sflag:s12] =	ssyncset.done $0x0  }
0x16f: {  	[sflag:s12] =	ssyncadd.s32 $0xFFFF0000  }
0x170: {  	_ =	swait.ge [sflag:s12], $0x10000  }
0x171: {  	[sflag:s12] =	ssyncset.done $0x0  }
0x172: {  	[sflag:s12] =	ssyncadd.s32 $0xFFFF0000  }
0x173: {  	_ =	swait.ge [sflag:s12], $0x10000  }
0x174: {  	[sflag:s12] =	ssyncset.done $0x0  }
0x175: {  	[sflag:s12] =	ssyncadd.s32 $0xFFFF0000  }
0x176: {  	_ =	swait.ge [sflag:s12], $0x10000  }
0x177: {  	[sflag:s12] =	ssyncset.done $0x0  }
0x178: {  	[sflag:s12] =	ssyncadd.s32 $0xFFFF0000  }
0x179: {  	_ =	swait.ge [sflag:s12], $0x10000  }
0x17a: {  	[sflag:s12] =	ssyncset.done $0x0  }
0x17b: {  	[sflag:s12] =	ssyncadd.s32 $0xFFFF0000  }
0x17c: {  	_ =	swait.ge [sflag:s12], $0x10000  }
0x17d: {  	[sflag:s12] =	ssyncset.done $0x0  }
0x17e: {  	[sflag:s12] =	ssyncadd.s32 $0xFFFF0000  }
0x17f: {  	_ =	swait.ge [sflag:s12], $0x10000  }
0x180: {  	[sflag:s12] =	ssyncset.done $0x0  }
0x181: {  	[sflag:s12] =	ssyncadd.s32 $0xFFFF0000  }
0x182: {  	_ =	swait.ge [sflag:s12], $0x10000  }
0x183: {  	[sflag:s12] =	ssyncset.done $0x0  }
0x184: {  	[sflag:s12] =	ssyncadd.s32 $0xFFFF0000  }
0x185: {  	_ =	swait.ge [sflag:s12], $0x10000  }
0x186: {  	[sflag:s12] =	ssyncset.done $0x0  }
0x187: {  	[sflag:s12] =	ssyncadd.s32 $0xFFFF0000  }
0x188: {  	_ =	swait.ge [sflag:s12], $0x10000  }
0x189: {  	[sflag:s12] =	ssyncset.done $0x0  }
0x18a: {  	[sflag:s12] =	ssyncadd.s32 $0xFFFF0000  }
0x18b: {  	_ =	swait.ge [sflag:s12], $0x10000  }
0x18c: {  	[sflag:s12] =	ssyncset.done $0x0  }
0x18d: {  	[sflag:s12] =	ssyncadd.s32 $0xFFFF0000  }
0x18e: {  	_ =	swait.ge [sflag:s12], $0x10000  }
0x18f: {  	[sflag:s12] =	ssyncset.done $0x0  }
0x190: {  	[sflag:s12] =	ssyncadd.s32 $0xFFFF0000  }
0x191: {  	_ =	swait.ge [sflag:s12], $0x10000  }
0x192: {  	[sflag:s12] =	ssyncset.done $0x0  }
0x193: {  	[sflag:s12] =	ssyncadd.s32 $0xFFFF0000  }
0x194: {  	_ =	swait.ge [sflag:s12], $0x10000  }
0x195: {  	[sflag:s12] =	ssyncset.done $0x0  }
0x196: {  	[sflag:s12] =	ssyncadd.s32 $0xFFFF0000  }
0x197: {  	_ =	swait.ge [sflag:s12], $0x10000  }
0x198: {  	[sflag:s12] =	ssyncset.done $0x0  }
0x199: {  	[sflag:s12] =	ssyncadd.s32 $0xFFFF0000  }
0x19a: {  	_ =	swait.ge [sflag:s12], $0x10000  }
0x19b: {  	[sflag:s12] =	ssyncset.done $0x0  }
0x19c: {  	[sflag:s12] =	ssyncadd.s32 $0xFFFF0000  }
0x19d: {  	_ =	swait.ge [sflag:s12], $0x10000  }
0x19e: {  	[sflag:s12] =	ssyncset.done $0x0  }
0x19f: {  	[sflag:s12] =	ssyncadd.s32 $0xFFFF0000  }
0x1a0: {  	_ =	swait.ge [sflag:s12], $0x10000  }
0x1a1: {  	[sflag:s12] =	ssyncset.done $0x0  }
0x1a2: {  	[sflag:s12] =	ssyncadd.s32 $0xFFFF0000  }
0x1a3: {  	_ =	swait.ge [sflag:s12], $0x10000  }
0x1a4: {  	[sflag:s12] =	ssyncset.done $0x0  }
0x1a5: {  	[sflag:s12] =	ssyncadd.s32 $0xFFFF0000  }
0x1a6: {  	_ =	swait.ge [sflag:s12], $0x10000  }
0x1a7: {  	[sflag:s12] =	ssyncset.done $0x0  }
0x1a8: {  	[sflag:s12] =	ssyncadd.s32 $0xFFFF0000  }
0x1a9: {  	_ =	swait.ge [sflag:s12], $0x10000  }
0x1aa: {  	[sflag:s12] =	ssyncset.done $0x0  }
0x1ab: {  	[sflag:s12] =	ssyncadd.s32 $0xFFFF0000  }
0x1ac: {  	_ =	swait.ge [sflag:s12], $0x10000  }
0x1ad: {  	[sflag:s12] =	ssyncset.done $0x0  }
0x1ae: {  	s13 =	sadd.s32 $0x1, s13;
	[sflag:s12] =	ssyncadd.s32 $0xFFFF0000  }
0x1af: {  	p0 =	sne.s32 s13, s6;
	_ =	swait.ge [sflag:s12], $0x10000  }
.Ltmp2:
0x1b0: {  	[sflag:s12] =	ssyncset.done $0x0;
	(pc) =	sbr.rel @p0 .LBB2_1-.Ltmp2, $4  }
0x1b1: {  	[sflag:s12] =	ssyncadd.s32 $0xFFFF0000  }
0x1b2: {  	_ =	swait.ge [sflag:s12], $0x10000  }
0x1b3: {  	[sflag:s12] =	ssyncset.done $0x0  }
0x1b4: {  	[sflag:s12] =	ssyncadd.s32 $0xFFFF0000  }
0x1b5: {  	_ =	sfence.sel $0x180000  }
0x1b6: {  	[bflag:$0x0] =	sbarrier.arrive $0xFFFF  }
0x1b7: {  	p0 =	sne.s32 s3, $0x0;
	_ =	strace $0x90000047  }
0x1b8: {  	s0 =	sadd.s32 @!p0 $0x100000, s0;
	[bflag:$0x2] =	sbarrier.arrive $0xFFFF  }
0x1b9: {  	[sflag:s0] =	ssyncadd.tile.s32 @!p0 $0x1;
	_ =	shalt  }
.Lfunc_end2:
_tile_overlayer_lowered:
.L_overlay_start_2:
0x1ba: {  	(tag) =	ssettag $0x2  }
0x1bb: {  	s0 =	rddreg [dreg:$0x0];
	s2 =	stileid.u32  }
0x1bc: {  	s1 =	rddreg [dreg:$0x1];
	p0 =	sne.s32 s2, $0x0  }
0x1bd: {  	s3 =	rddreg [dreg:$0x2];
	[bflag:$0x3] =	sbarrier.arrive $0xFFFF;
	s2 =	simm.s32 @!p0 $0x1C03  }
0x1be: {  	[timem:s3], [sflag:s2] =	dma.local @!p0 [hbm:s0], s1  }
0x1bf: {  	s0 =	simm.s32 @!p0 $0x3  }
0x1c0: {  	_ =	swait.ge @!p0 [sflag:s0], s1  }
0x1c1: {  	s1 =	ssub.s32 @!p0 $0x0, s1;
	[sflag:s0] =	ssyncset.done @!p0 $0x0  }
0x1c2: {  	[sflag:s0] =	ssyncadd.s32 @!p0 s1  }
0x1c3: {  	[bflag:$0x3] =	sbarrier.arrive $0xFFFF  }
0x1c4: {  	_ =	shalt  }

</sc_bundles>
